<compile_context>
chip_gen: v7x
topology: tpu7x:2x2x1
jax: 0.10.2.dev20260603
libtpu: 0.0.44.dev20260713+nightly
codegen_flags: <defaults>
</compile_context>

<pallas_src>
import jax
import jax.numpy as jnp
from jax import lax
from jax.experimental import pallas as pl
from jax.experimental.pallas import tpu as pltpu
from jax.experimental.pallas import tpu_sc as plsc

BATCH = 16384
EMBED_DIM = 32
NUM_CORES = 2
NUM_SUBCORES = 16
NUM_WORKERS = NUM_CORES * NUM_SUBCORES
ROWS_PER_WORKER = BATCH // NUM_WORKERS
CHUNK = 128
CHUNKS_PER_WORKER = ROWS_PER_WORKER // CHUNK
L = 16
BLOCK_N = 73728


def _proj_tc_kernel(t_ref, w_ref, o_ref):
    o_ref[...] = jnp.sum(t_ref[...] * w_ref[:, 0:1], axis=0, keepdims=True)


def _project(table_t, w_col):
    n = table_t.shape[1]
    grid = (n + BLOCK_N - 1) // BLOCK_N
    out = pl.pallas_call(
        _proj_tc_kernel,
        grid=(grid,),
        in_specs=[
            pl.BlockSpec((EMBED_DIM, BLOCK_N), lambda g: (0, g)),
            pl.BlockSpec((EMBED_DIM, 128), lambda g: (0, 0)),
        ],
        out_specs=pl.BlockSpec((1, BLOCK_N), lambda g: (0, g)),
        out_shape=jax.ShapeDtypeStruct((1, grid * BLOCK_N), jnp.float32),
    )(table_t, w_col)
    return out.reshape(grid * BLOCK_N)


def _gather_sc_kernel(p_u, p_c, u_idx, c_idx, bias16,
                      out, idx_u, idx_c, g_u, g_c, bias_v, out_v, sem):
    wid = lax.axis_index("s") * NUM_CORES + lax.axis_index("c")
    chunk_base = wid * CHUNKS_PER_WORKER

    pltpu.sync_copy(u_idx.at[pl.ds(chunk_base, CHUNKS_PER_WORKER)], idx_u)
    pltpu.sync_copy(c_idx.at[pl.ds(chunk_base, CHUNKS_PER_WORKER)], idx_c)
    pltpu.sync_copy(bias16, bias_v)

    copies = []
    for k in range(CHUNKS_PER_WORKER):
        copies.append(pltpu.async_copy(p_u.at[idx_u.at[k]], g_u.at[k], sem))
        copies.append(pltpu.async_copy(p_c.at[idx_c.at[k]], g_c.at[k], sem))
    for c in copies:
        c.wait()

    bias_vec = bias_v[0:L]
    for k in range(CHUNKS_PER_WORKER):
        for i in range(CHUNK // L):
            s = pl.ds(i * L, L)
            out_v[pl.ds(k * CHUNK + i * L, L)] = g_u[k, s] + g_c[k, s] + bias_vec

    pltpu.sync_copy(out_v, out.at[pl.ds(wid * ROWS_PER_WORKER,
                                        ROWS_PER_WORKER)])


@jax.jit
def _fm(u_idx, c_idx, table_u_t, table_c_t, w_u, w_c, bias16):
    p_u = _project(table_u_t, w_u)
    p_c = _project(table_c_t, w_c)

    mesh = plsc.VectorSubcoreMesh(core_axis_name="c", subcore_axis_name="s")
    run = pl.kernel(
        _gather_sc_kernel,
        out_type=jax.ShapeDtypeStruct((BATCH,), jnp.float32),
        mesh=mesh,
        scratch_types=[
            pltpu.VMEM((CHUNKS_PER_WORKER, CHUNK), jnp.int32),
            pltpu.VMEM((CHUNKS_PER_WORKER, CHUNK), jnp.int32),
            pltpu.VMEM((CHUNKS_PER_WORKER, CHUNK), jnp.float32),
            pltpu.VMEM((CHUNKS_PER_WORKER, CHUNK), jnp.float32),
            pltpu.VMEM((L,), jnp.float32),
            pltpu.VMEM((ROWS_PER_WORKER,), jnp.float32),
            pltpu.SemaphoreType.DMA,
        ],
        compiler_params=pltpu.CompilerParams(needs_layout_passes=False,
                                             use_tc_tiling_on_sc=False),
    )
    return run(p_u, p_c, u_idx, c_idx, bias16)


def kernel(user, course, user_table, course_table, W, b):
    u_idx = user.astype(jnp.int32).reshape(BATCH // CHUNK, CHUNK)
    c_idx = course.astype(jnp.int32).reshape(BATCH // CHUNK, CHUNK)
    w_flat = W.reshape(-1)
    w_u = jnp.broadcast_to(w_flat[:EMBED_DIM, None], (EMBED_DIM, 128))
    w_c = jnp.broadcast_to(w_flat[EMBED_DIM:, None], (EMBED_DIM, 128))
    bias16 = jnp.broadcast_to(b.reshape(-1), (L,))
    out = _fm(u_idx, c_idx, user_table.T, course_table.T, w_u, w_c, bias16)
    return out.reshape(BATCH, 1)

# --- scband reference (transcript-rebuilt; emitter-appended) ---
"""Pipeline reference for scband-factorization-machine-3667902070994 (READ-ONLY COPY).

The authoritative reference and input builder live on the scoring server;
editing this copy changes nothing except your own understanding.
"""

import jax, jax.numpy as jnp
import numpy as np

NUM_USERS = 1000000
NUM_COURSES = 100000
EMBED_DIM = 32
BATCH = 16384


def setup_inputs(seed: int = 0) -> dict:
    key = jax.random.key(seed)
    k1, k2, k3, k4, k5, k6 = jax.random.split(key, 6)
    user = jax.random.randint(k1, (BATCH,), 0, NUM_USERS, dtype=jnp.int64 if jax.config.jax_enable_x64 else jnp.int32)
    course = jax.random.randint(k2, (BATCH,), 0, NUM_COURSES, dtype=jnp.int64 if jax.config.jax_enable_x64 else jnp.int32)
    user_table = jax.random.normal(k3, (NUM_USERS, EMBED_DIM), dtype=jnp.float32)
    course_table = jax.random.normal(k4, (NUM_COURSES, EMBED_DIM), dtype=jnp.float32)
    # nn.Linear(embedding_dim*2, 1): weight [1, 64], bias [1]
    lim = 1.0 / np.sqrt(EMBED_DIM * 2)
    W = jax.random.uniform(k5, (1, EMBED_DIM * 2), dtype=jnp.float32, minval=-lim, maxval=lim)
    b = jax.random.uniform(k6, (1,), dtype=jnp.float32, minval=-lim, maxval=lim)
    return {"user": user, "course": course, "user_table": user_table, "course_table": course_table, "W": W, "b": b}


def reference(user, course, user_table, course_table, W, b):
    user_emb = jnp.take(user_table, user, axis=0)      # [B, D]
    course_emb = jnp.take(course_table, course, axis=0)  # [B, D]
    interaction = jnp.concatenate([user_emb, course_emb], axis=1)  # [B, 2D]
    output = interaction @ W.T + b                      # [B, 1]
    return output

if __name__ == "__main__":
    import jax
    _d = setup_inputs()
    print(jax.jit(kernel)(*tuple(_d.values())))

</pallas_src>

<mosaic_0001>
#map = affine_map<(d0, d1) -> (0)>
#map1 = affine_map<(d0, d1) -> (0, 0)>
module attributes {stable_mosaic.version = 14 : i64} {
  func.func @_gather_sc_kernel(%arg0: i32, %arg1: i32, %arg2: memref<1032192xf32, #tpu.memory_space<hbm>>, %arg3: memref<147456xf32, #tpu.memory_space<hbm>>, %arg4: memref<128x128xi32, #tpu.memory_space<hbm>>, %arg5: memref<128x128xi32, #tpu.memory_space<hbm>>, %arg6: memref<16xf32, #tpu.memory_space<hbm>>, %arg7: memref<16384xf32, #tpu.memory_space<hbm>>, %arg8: memref<4x128xi32, #tpu.memory_space<vmem>>, %arg9: memref<4x128xi32, #tpu.memory_space<vmem>>, %arg10: memref<4x128xf32, #tpu.memory_space<vmem>>, %arg11: memref<4x128xf32, #tpu.memory_space<vmem>>, %arg12: memref<16xf32, #tpu.memory_space<vmem>>, %arg13: memref<512xf32, #tpu.memory_space<vmem>>, %arg14: memref<!tpu.dma_semaphore, #tpu.memory_space<semaphore_mem>>) attributes {dimension_semantics = [#tpu.dimension_semantics<core_parallel>, #tpu.dimension_semantics<subcore_parallel>], iteration_bounds = array<i64: 2, 16>, scalar_prefetch = 0 : i64, scratch_operands = 7 : i64, tpu.core_type = #tpu.core_type<sc_vector_subcore>, window_params = [{transform_indices = #map}, {transform_indices = #map}, {transform_indices = #map1}, {transform_indices = #map1}, {transform_indices = #map}, {transform_indices = #map}]} {
    %mul3A = arith.constant 2 : i32
    %mul3A_0 = arith.muli %arg1, %mul3A : i32
    %add3A = arith.addi %mul3A_0, %arg0 : i32
    %mul3A_1 = arith.constant 4 : i32
    %mul3A_2 = arith.muli %add3A, %mul3A_1 : i32
    "tpu.region"() ({
      %run_scoped3A = tpu.sem_alloc : memref<!tpu.dma_semaphore, #tpu.memory_space<semaphore_mem>>
      %dma_start3A_547 = arith.constant 0 : i32
      %dma_start3A_548 = tpu.memref_slice %arg4[%mul3A_2, %dma_start3A_547] : memref<128x128xi32, #tpu.memory_space<hbm>> -> memref<4x128xi32, #tpu.memory_space<hbm>>
      %dma_start3A_549 = arith.constant 0 : i32
      %dma_start3A_550 = tpu.memref_slice %arg4[%mul3A_2, %dma_start3A_549] : memref<128x128xi32, #tpu.memory_space<hbm>> -> memref<4x128xi32, #tpu.memory_space<hbm>>
      tpu.enqueue_dma source(%dma_start3A_550 : memref<4x128xi32, #tpu.memory_space<hbm>>) target(%arg8 : memref<4x128xi32, #tpu.memory_space<vmem>>) target_semaphore(%run_scoped3A : memref<!tpu.dma_semaphore, #tpu.memory_space<semaphore_mem>>)
      %dma_wait3A_551 = arith.constant 0 : i32
      %dma_wait3A_552 = tpu.memref_slice %arg4[%mul3A_2, %dma_wait3A_551] : memref<128x128xi32, #tpu.memory_space<hbm>> -> memref<4x128xi32, #tpu.memory_space<hbm>>
      %dma_wait3A_553 = arith.constant 0 : i32
      %dma_wait3A_554 = tpu.memref_slice %arg4[%mul3A_2, %dma_wait3A_553] : memref<128x128xi32, #tpu.memory_space<hbm>> -> memref<4x128xi32, #tpu.memory_space<hbm>>
      tpu.wait_dma2 semaphore(%run_scoped3A : memref<!tpu.dma_semaphore, #tpu.memory_space<semaphore_mem>>) src(%dma_wait3A_554 : memref<4x128xi32, #tpu.memory_space<hbm>>) dst(%arg8 : memref<4x128xi32, #tpu.memory_space<vmem>>)
      tpu.yield
    }) : () -> ()
    "tpu.region"() ({
      %run_scoped3A = tpu.sem_alloc : memref<!tpu.dma_semaphore, #tpu.memory_space<semaphore_mem>>
      %dma_start3A_547 = arith.constant 0 : i32
      %dma_start3A_548 = tpu.memref_slice %arg5[%mul3A_2, %dma_start3A_547] : memref<128x128xi32, #tpu.memory_space<hbm>> -> memref<4x128xi32, #tpu.memory_space<hbm>>
      %dma_start3A_549 = arith.constant 0 : i32
      %dma_start3A_550 = tpu.memref_slice %arg5[%mul3A_2, %dma_start3A_549] : memref<128x128xi32, #tpu.memory_space<hbm>> -> memref<4x128xi32, #tpu.memory_space<hbm>>
      tpu.enqueue_dma source(%dma_start3A_550 : memref<4x128xi32, #tpu.memory_space<hbm>>) target(%arg9 : memref<4x128xi32, #tpu.memory_space<vmem>>) target_semaphore(%run_scoped3A : memref<!tpu.dma_semaphore, #tpu.memory_space<semaphore_mem>>)
      %dma_wait3A_551 = arith.constant 0 : i32
      %dma_wait3A_552 = tpu.memref_slice %arg5[%mul3A_2, %dma_wait3A_551] : memref<128x128xi32, #tpu.memory_space<hbm>> -> memref<4x128xi32, #tpu.memory_space<hbm>>
      %dma_wait3A_553 = arith.constant 0 : i32
      %dma_wait3A_554 = tpu.memref_slice %arg5[%mul3A_2, %dma_wait3A_553] : memref<128x128xi32, #tpu.memory_space<hbm>> -> memref<4x128xi32, #tpu.memory_space<hbm>>
      tpu.wait_dma2 semaphore(%run_scoped3A : memref<!tpu.dma_semaphore, #tpu.memory_space<semaphore_mem>>) src(%dma_wait3A_554 : memref<4x128xi32, #tpu.memory_space<hbm>>) dst(%arg9 : memref<4x128xi32, #tpu.memory_space<vmem>>)
      tpu.yield
    }) : () -> ()
    "tpu.region"() ({
      %run_scoped3A = tpu.sem_alloc : memref<!tpu.dma_semaphore, #tpu.memory_space<semaphore_mem>>
      tpu.enqueue_dma source(%arg6 : memref<16xf32, #tpu.memory_space<hbm>>) target(%arg12 : memref<16xf32, #tpu.memory_space<vmem>>) target_semaphore(%run_scoped3A : memref<!tpu.dma_semaphore, #tpu.memory_space<semaphore_mem>>)
      tpu.wait_dma2 semaphore(%run_scoped3A : memref<!tpu.dma_semaphore, #tpu.memory_space<semaphore_mem>>) src(%arg6 : memref<16xf32, #tpu.memory_space<hbm>>) dst(%arg12 : memref<16xf32, #tpu.memory_space<vmem>>)
      tpu.yield
    }) : () -> ()
    %dma_start3A = arith.constant 0 : i32
    %dma_start3A_3 = arith.constant 0 : i32
    %dma_start3A_4 = arith.constant 0 : i32
    %dma_start3A_5 = tpu.memref_slice %arg10[%dma_start3A_3, %dma_start3A_4] : memref<4x128xf32, #tpu.memory_space<vmem>> -> memref<1x128xf32, #tpu.memory_space<vmem>>
    %dma_start3A_6 = tpu.memref_squeeze %dma_start3A_5 : memref<1x128xf32, #tpu.memory_space<vmem>> -> memref<128xf32, #tpu.memory_space<vmem>>
    %dma_start3A_7 = arith.constant 0 : i32
    %dma_start3A_8 = tpu.memref_slice %arg8[%dma_start3A, %dma_start3A_7] : memref<4x128xi32, #tpu.memory_space<vmem>> -> memref<1x128xi32, #tpu.memory_space<vmem>>
    %dma_start3A_9 = tpu.memref_squeeze %dma_start3A_8 : memref<1x128xi32, #tpu.memory_space<vmem>> -> memref<128xi32, #tpu.memory_space<vmem>>
    %dma_start3A_10 = arith.constant 0 : i32
    %dma_start3A_11 = tpu.memref_slice %arg2[%dma_start3A_10] : memref<1032192xf32, #tpu.memory_space<hbm>> -> memref<1032192xf32, #tpu.memory_space<hbm>>
    tpu.enqueue_indirect_dma source(%dma_start3A_11 : memref<1032192xf32, #tpu.memory_space<hbm>>) target(%dma_start3A_6 : memref<128xf32, #tpu.memory_space<vmem>>) offsets(%dma_start3A_9 : memref<128xi32, #tpu.memory_space<vmem>>) semaphore(%arg14 : memref<!tpu.dma_semaphore, #tpu.memory_space<semaphore_mem>>)
    %dma_start3A_12 = arith.constant 0 : i32
    %dma_start3A_13 = arith.constant 0 : i32
    %dma_start3A_14 = arith.constant 0 : i32
    %dma_start3A_15 = tpu.memref_slice %arg11[%dma_start3A_13, %dma_start3A_14] : memref<4x128xf32, #tpu.memory_space<vmem>> -> memref<1x128xf32, #tpu.memory_space<vmem>>
    %dma_start3A_16 = tpu.memref_squeeze %dma_start3A_15 : memref<1x128xf32, #tpu.memory_space<vmem>> -> memref<128xf32, #tpu.memory_space<vmem>>
    %dma_start3A_17 = arith.constant 0 : i32
    %dma_start3A_18 = tpu.memref_slice %arg9[%dma_start3A_12, %dma_start3A_17] : memref<4x128xi32, #tpu.memory_space<vmem>> -> memref<1x128xi32, #tpu.memory_space<vmem>>
    %dma_start3A_19 = tpu.memref_squeeze %dma_start3A_18 : memref<1x128xi32, #tpu.memory_space<vmem>> -> memref<128xi32, #tpu.memory_space<vmem>>
    %dma_start3A_20 = arith.constant 0 : i32
    %dma_start3A_21 = tpu.memref_slice %arg3[%dma_start3A_20] : memref<147456xf32, #tpu.memory_space<hbm>> -> memref<147456xf32, #tpu.memory_space<hbm>>
    tpu.enqueue_indirect_dma source(%dma_start3A_21 : memref<147456xf32, #tpu.memory_space<hbm>>) target(%dma_start3A_16 : memref<128xf32, #tpu.memory_space<vmem>>) offsets(%dma_start3A_19 : memref<128xi32, #tpu.memory_space<vmem>>) semaphore(%arg14 : memref<!tpu.dma_semaphore, #tpu.memory_space<semaphore_mem>>)
    %dma_start3A_22 = arith.constant 1 : i32
    %dma_start3A_23 = arith.constant 1 : i32
    %dma_start3A_24 = arith.constant 0 : i32
    %dma_start3A_25 = tpu.memref_slice %arg10[%dma_start3A_23, %dma_start3A_24] : memref<4x128xf32, #tpu.memory_space<vmem>> -> memref<1x128xf32, #tpu.memory_space<vmem>>
    %dma_start3A_26 = tpu.memref_squeeze %dma_start3A_25 : memref<1x128xf32, #tpu.memory_space<vmem>> -> memref<128xf32, #tpu.memory_space<vmem>>
    %dma_start3A_27 = arith.constant 0 : i32
    %dma_start3A_28 = tpu.memref_slice %arg8[%dma_start3A_22, %dma_start3A_27] : memref<4x128xi32, #tpu.memory_space<vmem>> -> memref<1x128xi32, #tpu.memory_space<vmem>>
    %dma_start3A_29 = tpu.memref_squeeze %dma_start3A_28 : memref<1x128xi32, #tpu.memory_space<vmem>> -> memref<128xi32, #tpu.memory_space<vmem>>
    %dma_start3A_30 = arith.constant 0 : i32
    %dma_start3A_31 = tpu.memref_slice %arg2[%dma_start3A_30] : memref<1032192xf32, #tpu.memory_space<hbm>> -> memref<1032192xf32, #tpu.memory_space<hbm>>
    tpu.enqueue_indirect_dma source(%dma_start3A_31 : memref<1032192xf32, #tpu.memory_space<hbm>>) target(%dma_start3A_26 : memref<128xf32, #tpu.memory_space<vmem>>) offsets(%dma_start3A_29 : memref<128xi32, #tpu.memory_space<vmem>>) semaphore(%arg14 : memref<!tpu.dma_semaphore, #tpu.memory_space<semaphore_mem>>)
    %dma_start3A_32 = arith.constant 1 : i32
    %dma_start3A_33 = arith.constant 1 : i32
    %dma_start3A_34 = arith.constant 0 : i32
    %dma_start3A_35 = tpu.memref_slice %arg11[%dma_start3A_33, %dma_start3A_34] : memref<4x128xf32, #tpu.memory_space<vmem>> -> memref<1x128xf32, #tpu.memory_space<vmem>>
    %dma_start3A_36 = tpu.memref_squeeze %dma_start3A_35 : memref<1x128xf32, #tpu.memory_space<vmem>> -> memref<128xf32, #tpu.memory_space<vmem>>
    %dma_start3A_37 = arith.constant 0 : i32
    %dma_start3A_38 = tpu.memref_slice %arg9[%dma_start3A_32, %dma_start3A_37] : memref<4x128xi32, #tpu.memory_space<vmem>> -> memref<1x128xi32, #tpu.memory_space<vmem>>
    %dma_start3A_39 = tpu.memref_squeeze %dma_start3A_38 : memref<1x128xi32, #tpu.memory_space<vmem>> -> memref<128xi32, #tpu.memory_space<vmem>>
    %dma_start3A_40 = arith.constant 0 : i32
    %dma_start3A_41 = tpu.memref_slice %arg3[%dma_start3A_40] : memref<147456xf32, #tpu.memory_space<hbm>> -> memref<147456xf32, #tpu.memory_space<hbm>>
    tpu.enqueue_indirect_dma source(%dma_start3A_41 : memref<147456xf32, #tpu.memory_space<hbm>>) target(%dma_start3A_36 : memref<128xf32, #tpu.memory_space<vmem>>) offsets(%dma_start3A_39 : memref<128xi32, #tpu.memory_space<vmem>>) semaphore(%arg14 : memref<!tpu.dma_semaphore, #tpu.memory_space<semaphore_mem>>)
    %dma_start3A_42 = arith.constant 2 : i32
    %dma_start3A_43 = arith.constant 2 : i32
    %dma_start3A_44 = arith.constant 0 : i32
    %dma_start3A_45 = tpu.memref_slice %arg10[%dma_start3A_43, %dma_start3A_44] : memref<4x128xf32, #tpu.memory_space<vmem>> -> memref<1x128xf32, #tpu.memory_space<vmem>>
    %dma_start3A_46 = tpu.memref_squeeze %dma_start3A_45 : memref<1x128xf32, #tpu.memory_space<vmem>> -> memref<128xf32, #tpu.memory_space<vmem>>
    %dma_start3A_47 = arith.constant 0 : i32
    %dma_start3A_48 = tpu.memref_slice %arg8[%dma_start3A_42, %dma_start3A_47] : memref<4x128xi32, #tpu.memory_space<vmem>> -> memref<1x128xi32, #tpu.memory_space<vmem>>
    %dma_start3A_49 = tpu.memref_squeeze %dma_start3A_48 : memref<1x128xi32, #tpu.memory_space<vmem>> -> memref<128xi32, #tpu.memory_space<vmem>>
    %dma_start3A_50 = arith.constant 0 : i32
    %dma_start3A_51 = tpu.memref_slice %arg2[%dma_start3A_50] : memref<1032192xf32, #tpu.memory_space<hbm>> -> memref<1032192xf32, #tpu.memory_space<hbm>>
    tpu.enqueue_indirect_dma source(%dma_start3A_51 : memref<1032192xf32, #tpu.memory_space<hbm>>) target(%dma_start3A_46 : memref<128xf32, #tpu.memory_space<vmem>>) offsets(%dma_start3A_49 : memref<128xi32, #tpu.memory_space<vmem>>) semaphore(%arg14 : memref<!tpu.dma_semaphore, #tpu.memory_space<semaphore_mem>>)
    %dma_start3A_52 = arith.constant 2 : i32
    %dma_start3A_53 = arith.constant 2 : i32
    %dma_start3A_54 = arith.constant 0 : i32
    %dma_start3A_55 = tpu.memref_slice %arg11[%dma_start3A_53, %dma_start3A_54] : memref<4x128xf32, #tpu.memory_space<vmem>> -> memref<1x128xf32, #tpu.memory_space<vmem>>
    %dma_start3A_56 = tpu.memref_squeeze %dma_start3A_55 : memref<1x128xf32, #tpu.memory_space<vmem>> -> memref<128xf32, #tpu.memory_space<vmem>>
    %dma_start3A_57 = arith.constant 0 : i32
    %dma_start3A_58 = tpu.memref_slice %arg9[%dma_start3A_52, %dma_start3A_57] : memref<4x128xi32, #tpu.memory_space<vmem>> -> memref<1x128xi32, #tpu.memory_space<vmem>>
    %dma_start3A_59 = tpu.memref_squeeze %dma_start3A_58 : memref<1x128xi32, #tpu.memory_space<vmem>> -> memref<128xi32, #tpu.memory_space<vmem>>
    %dma_start3A_60 = arith.constant 0 : i32
    %dma_start3A_61 = tpu.memref_slice %arg3[%dma_start3A_60] : memref<147456xf32, #tpu.memory_space<hbm>> -> memref<147456xf32, #tpu.memory_space<hbm>>
    tpu.enqueue_indirect_dma source(%dma_start3A_61 : memref<147456xf32, #tpu.memory_space<hbm>>) target(%dma_start3A_56 : memref<128xf32, #tpu.memory_space<vmem>>) offsets(%dma_start3A_59 : memref<128xi32, #tpu.memory_space<vmem>>) semaphore(%arg14 : memref<!tpu.dma_semaphore, #tpu.memory_space<semaphore_mem>>)
    %dma_start3A_62 = arith.constant 3 : i32
    %dma_start3A_63 = arith.constant 3 : i32
    %dma_start3A_64 = arith.constant 0 : i32
    %dma_start3A_65 = tpu.memref_slice %arg10[%dma_start3A_63, %dma_start3A_64] : memref<4x128xf32, #tpu.memory_space<vmem>> -> memref<1x128xf32, #tpu.memory_space<vmem>>
    %dma_start3A_66 = tpu.memref_squeeze %dma_start3A_65 : memref<1x128xf32, #tpu.memory_space<vmem>> -> memref<128xf32, #tpu.memory_space<vmem>>
    %dma_start3A_67 = arith.constant 0 : i32
    %dma_start3A_68 = tpu.memref_slice %arg8[%dma_start3A_62, %dma_start3A_67] : memref<4x128xi32, #tpu.memory_space<vmem>> -> memref<1x128xi32, #tpu.memory_space<vmem>>
    %dma_start3A_69 = tpu.memref_squeeze %dma_start3A_68 : memref<1x128xi32, #tpu.memory_space<vmem>> -> memref<128xi32, #tpu.memory_space<vmem>>
    %dma_start3A_70 = arith.constant 0 : i32
    %dma_start3A_71 = tpu.memref_slice %arg2[%dma_start3A_70] : memref<1032192xf32, #tpu.memory_space<hbm>> -> memref<1032192xf32, #tpu.memory_space<hbm>>
    tpu.enqueue_indirect_dma source(%dma_start3A_71 : memref<1032192xf32, #tpu.memory_space<hbm>>) target(%dma_start3A_66 : memref<128xf32, #tpu.memory_space<vmem>>) offsets(%dma_start3A_69 : memref<128xi32, #tpu.memory_space<vmem>>) semaphore(%arg14 : memref<!tpu.dma_semaphore, #tpu.memory_space<semaphore_mem>>)
    %dma_start3A_72 = arith.constant 3 : i32
    %dma_start3A_73 = arith.constant 3 : i32
    %dma_start3A_74 = arith.constant 0 : i32
    %dma_start3A_75 = tpu.memref_slice %arg11[%dma_start3A_73, %dma_start3A_74] : memref<4x128xf32, #tpu.memory_space<vmem>> -> memref<1x128xf32, #tpu.memory_space<vmem>>
    %dma_start3A_76 = tpu.memref_squeeze %dma_start3A_75 : memref<1x128xf32, #tpu.memory_space<vmem>> -> memref<128xf32, #tpu.memory_space<vmem>>
    %dma_start3A_77 = arith.constant 0 : i32
    %dma_start3A_78 = tpu.memref_slice %arg9[%dma_start3A_72, %dma_start3A_77] : memref<4x128xi32, #tpu.memory_space<vmem>> -> memref<1x128xi32, #tpu.memory_space<vmem>>
    %dma_start3A_79 = tpu.memref_squeeze %dma_start3A_78 : memref<1x128xi32, #tpu.memory_space<vmem>> -> memref<128xi32, #tpu.memory_space<vmem>>
    %dma_start3A_80 = arith.constant 0 : i32
    %dma_start3A_81 = tpu.memref_slice %arg3[%dma_start3A_80] : memref<147456xf32, #tpu.memory_space<hbm>> -> memref<147456xf32, #tpu.memory_space<hbm>>
    tpu.enqueue_indirect_dma source(%dma_start3A_81 : memref<147456xf32, #tpu.memory_space<hbm>>) target(%dma_start3A_76 : memref<128xf32, #tpu.memory_space<vmem>>) offsets(%dma_start3A_79 : memref<128xi32, #tpu.memory_space<vmem>>) semaphore(%arg14 : memref<!tpu.dma_semaphore, #tpu.memory_space<semaphore_mem>>)
    %dma_wait3A = arith.constant 0 : i32
    %dma_wait3A_82 = arith.constant 0 : i32
    %dma_wait3A_83 = arith.constant 0 : i32
    %dma_wait3A_84 = tpu.memref_slice %arg10[%dma_wait3A_82, %dma_wait3A_83] : memref<4x128xf32, #tpu.memory_space<vmem>> -> memref<1x128xf32, #tpu.memory_space<vmem>>
    %dma_wait3A_85 = tpu.memref_squeeze %dma_wait3A_84 : memref<1x128xf32, #tpu.memory_space<vmem>> -> memref<128xf32, #tpu.memory_space<vmem>>
    %dma_wait3A_86 = arith.constant 0 : i32
    %dma_wait3A_87 = tpu.memref_slice %arg8[%dma_wait3A, %dma_wait3A_86] : memref<4x128xi32, #tpu.memory_space<vmem>> -> memref<1x128xi32, #tpu.memory_space<vmem>>
    %dma_wait3A_88 = tpu.memref_squeeze %dma_wait3A_87 : memref<1x128xi32, #tpu.memory_space<vmem>> -> memref<128xi32, #tpu.memory_space<vmem>>
    %dma_wait3A_89 = arith.constant 0 : i32
    %dma_wait3A_90 = tpu.memref_slice %arg2[%dma_wait3A_89] : memref<1032192xf32, #tpu.memory_space<hbm>> -> memref<1032192xf32, #tpu.memory_space<hbm>>
    tpu.wait_indirect_dma semaphore(%arg14 : memref<!tpu.dma_semaphore, #tpu.memory_space<semaphore_mem>>) src(%dma_wait3A_90 : memref<1032192xf32, #tpu.memory_space<hbm>>) dst(%dma_wait3A_85 : memref<128xf32, #tpu.memory_space<vmem>>)
    %dma_wait3A_91 = arith.constant 0 : i32
    %dma_wait3A_92 = arith.constant 0 : i32
    %dma_wait3A_93 = arith.constant 0 : i32
    %dma_wait3A_94 = tpu.memref_slice %arg11[%dma_wait3A_92, %dma_wait3A_93] : memref<4x128xf32, #tpu.memory_space<vmem>> -> memref<1x128xf32, #tpu.memory_space<vmem>>
    %dma_wait3A_95 = tpu.memref_squeeze %dma_wait3A_94 : memref<1x128xf32, #tpu.memory_space<vmem>> -> memref<128xf32, #tpu.memory_space<vmem>>
    %dma_wait3A_96 = arith.constant 0 : i32
    %dma_wait3A_97 = tpu.memref_slice %arg9[%dma_wait3A_91, %dma_wait3A_96] : memref<4x128xi32, #tpu.memory_space<vmem>> -> memref<1x128xi32, #tpu.memory_space<vmem>>
    %dma_wait3A_98 = tpu.memref_squeeze %dma_wait3A_97 : memref<1x128xi32, #tpu.memory_space<vmem>> -> memref<128xi32, #tpu.memory_space<vmem>>
    %dma_wait3A_99 = arith.constant 0 : i32
    %dma_wait3A_100 = tpu.memref_slice %arg3[%dma_wait3A_99] : memref<147456xf32, #tpu.memory_space<hbm>> -> memref<147456xf32, #tpu.memory_space<hbm>>
    tpu.wait_indirect_dma semaphore(%arg14 : memref<!tpu.dma_semaphore, #tpu.memory_space<semaphore_mem>>) src(%dma_wait3A_100 : memref<147456xf32, #tpu.memory_space<hbm>>) dst(%dma_wait3A_95 : memref<128xf32, #tpu.memory_space<vmem>>)
    %dma_wait3A_101 = arith.constant 1 : i32
    %dma_wait3A_102 = arith.constant 1 : i32
    %dma_wait3A_103 = arith.constant 0 : i32
    %dma_wait3A_104 = tpu.memref_slice %arg10[%dma_wait3A_102, %dma_wait3A_103] : memref<4x128xf32, #tpu.memory_space<vmem>> -> memref<1x128xf32, #tpu.memory_space<vmem>>
    %dma_wait3A_105 = tpu.memref_squeeze %dma_wait3A_104 : memref<1x128xf32, #tpu.memory_space<vmem>> -> memref<128xf32, #tpu.memory_space<vmem>>
    %dma_wait3A_106 = arith.constant 0 : i32
    %dma_wait3A_107 = tpu.memref_slice %arg8[%dma_wait3A_101, %dma_wait3A_106] : memref<4x128xi32, #tpu.memory_space<vmem>> -> memref<1x128xi32, #tpu.memory_space<vmem>>
    %dma_wait3A_108 = tpu.memref_squeeze %dma_wait3A_107 : memref<1x128xi32, #tpu.memory_space<vmem>> -> memref<128xi32, #tpu.memory_space<vmem>>
    %dma_wait3A_109 = arith.constant 0 : i32
    %dma_wait3A_110 = tpu.memref_slice %arg2[%dma_wait3A_109] : memref<1032192xf32, #tpu.memory_space<hbm>> -> memref<1032192xf32, #tpu.memory_space<hbm>>
    tpu.wait_indirect_dma semaphore(%arg14 : memref<!tpu.dma_semaphore, #tpu.memory_space<semaphore_mem>>) src(%dma_wait3A_110 : memref<1032192xf32, #tpu.memory_space<hbm>>) dst(%dma_wait3A_105 : memref<128xf32, #tpu.memory_space<vmem>>)
    %dma_wait3A_111 = arith.constant 1 : i32
    %dma_wait3A_112 = arith.constant 1 : i32
    %dma_wait3A_113 = arith.constant 0 : i32
    %dma_wait3A_114 = tpu.memref_slice %arg11[%dma_wait3A_112, %dma_wait3A_113] : memref<4x128xf32, #tpu.memory_space<vmem>> -> memref<1x128xf32, #tpu.memory_space<vmem>>
    %dma_wait3A_115 = tpu.memref_squeeze %dma_wait3A_114 : memref<1x128xf32, #tpu.memory_space<vmem>> -> memref<128xf32, #tpu.memory_space<vmem>>
    %dma_wait3A_116 = arith.constant 0 : i32
    %dma_wait3A_117 = tpu.memref_slice %arg9[%dma_wait3A_111, %dma_wait3A_116] : memref<4x128xi32, #tpu.memory_space<vmem>> -> memref<1x128xi32, #tpu.memory_space<vmem>>
    %dma_wait3A_118 = tpu.memref_squeeze %dma_wait3A_117 : memref<1x128xi32, #tpu.memory_space<vmem>> -> memref<128xi32, #tpu.memory_space<vmem>>
    %dma_wait3A_119 = arith.constant 0 : i32
    %dma_wait3A_120 = tpu.memref_slice %arg3[%dma_wait3A_119] : memref<147456xf32, #tpu.memory_space<hbm>> -> memref<147456xf32, #tpu.memory_space<hbm>>
    tpu.wait_indirect_dma semaphore(%arg14 : memref<!tpu.dma_semaphore, #tpu.memory_space<semaphore_mem>>) src(%dma_wait3A_120 : memref<147456xf32, #tpu.memory_space<hbm>>) dst(%dma_wait3A_115 : memref<128xf32, #tpu.memory_space<vmem>>)
    %dma_wait3A_121 = arith.constant 2 : i32
    %dma_wait3A_122 = arith.constant 2 : i32
    %dma_wait3A_123 = arith.constant 0 : i32
    %dma_wait3A_124 = tpu.memref_slice %arg10[%dma_wait3A_122, %dma_wait3A_123] : memref<4x128xf32, #tpu.memory_space<vmem>> -> memref<1x128xf32, #tpu.memory_space<vmem>>
    %dma_wait3A_125 = tpu.memref_squeeze %dma_wait3A_124 : memref<1x128xf32, #tpu.memory_space<vmem>> -> memref<128xf32, #tpu.memory_space<vmem>>
    %dma_wait3A_126 = arith.constant 0 : i32
    %dma_wait3A_127 = tpu.memref_slice %arg8[%dma_wait3A_121, %dma_wait3A_126] : memref<4x128xi32, #tpu.memory_space<vmem>> -> memref<1x128xi32, #tpu.memory_space<vmem>>
    %dma_wait3A_128 = tpu.memref_squeeze %dma_wait3A_127 : memref<1x128xi32, #tpu.memory_space<vmem>> -> memref<128xi32, #tpu.memory_space<vmem>>
    %dma_wait3A_129 = arith.constant 0 : i32
    %dma_wait3A_130 = tpu.memref_slice %arg2[%dma_wait3A_129] : memref<1032192xf32, #tpu.memory_space<hbm>> -> memref<1032192xf32, #tpu.memory_space<hbm>>
    tpu.wait_indirect_dma semaphore(%arg14 : memref<!tpu.dma_semaphore, #tpu.memory_space<semaphore_mem>>) src(%dma_wait3A_130 : memref<1032192xf32, #tpu.memory_space<hbm>>) dst(%dma_wait3A_125 : memref<128xf32, #tpu.memory_space<vmem>>)
    %dma_wait3A_131 = arith.constant 2 : i32
    %dma_wait3A_132 = arith.constant 2 : i32
    %dma_wait3A_133 = arith.constant 0 : i32
    %dma_wait3A_134 = tpu.memref_slice %arg11[%dma_wait3A_132, %dma_wait3A_133] : memref<4x128xf32, #tpu.memory_space<vmem>> -> memref<1x128xf32, #tpu.memory_space<vmem>>
    %dma_wait3A_135 = tpu.memref_squeeze %dma_wait3A_134 : memref<1x128xf32, #tpu.memory_space<vmem>> -> memref<128xf32, #tpu.memory_space<vmem>>
    %dma_wait3A_136 = arith.constant 0 : i32
    %dma_wait3A_137 = tpu.memref_slice %arg9[%dma_wait3A_131, %dma_wait3A_136] : memref<4x128xi32, #tpu.memory_space<vmem>> -> memref<1x128xi32, #tpu.memory_space<vmem>>
    %dma_wait3A_138 = tpu.memref_squeeze %dma_wait3A_137 : memref<1x128xi32, #tpu.memory_space<vmem>> -> memref<128xi32, #tpu.memory_space<vmem>>
    %dma_wait3A_139 = arith.constant 0 : i32
    %dma_wait3A_140 = tpu.memref_slice %arg3[%dma_wait3A_139] : memref<147456xf32, #tpu.memory_space<hbm>> -> memref<147456xf32, #tpu.memory_space<hbm>>
    tpu.wait_indirect_dma semaphore(%arg14 : memref<!tpu.dma_semaphore, #tpu.memory_space<semaphore_mem>>) src(%dma_wait3A_140 : memref<147456xf32, #tpu.memory_space<hbm>>) dst(%dma_wait3A_135 : memref<128xf32, #tpu.memory_space<vmem>>)
    %dma_wait3A_141 = arith.constant 3 : i32
    %dma_wait3A_142 = arith.constant 3 : i32
    %dma_wait3A_143 = arith.constant 0 : i32
    %dma_wait3A_144 = tpu.memref_slice %arg10[%dma_wait3A_142, %dma_wait3A_143] : memref<4x128xf32, #tpu.memory_space<vmem>> -> memref<1x128xf32, #tpu.memory_space<vmem>>
    %dma_wait3A_145 = tpu.memref_squeeze %dma_wait3A_144 : memref<1x128xf32, #tpu.memory_space<vmem>> -> memref<128xf32, #tpu.memory_space<vmem>>
    %dma_wait3A_146 = arith.constant 0 : i32
    %dma_wait3A_147 = tpu.memref_slice %arg8[%dma_wait3A_141, %dma_wait3A_146] : memref<4x128xi32, #tpu.memory_space<vmem>> -> memref<1x128xi32, #tpu.memory_space<vmem>>
    %dma_wait3A_148 = tpu.memref_squeeze %dma_wait3A_147 : memref<1x128xi32, #tpu.memory_space<vmem>> -> memref<128xi32, #tpu.memory_space<vmem>>
    %dma_wait3A_149 = arith.constant 0 : i32
    %dma_wait3A_150 = tpu.memref_slice %arg2[%dma_wait3A_149] : memref<1032192xf32, #tpu.memory_space<hbm>> -> memref<1032192xf32, #tpu.memory_space<hbm>>
    tpu.wait_indirect_dma semaphore(%arg14 : memref<!tpu.dma_semaphore, #tpu.memory_space<semaphore_mem>>) src(%dma_wait3A_150 : memref<1032192xf32, #tpu.memory_space<hbm>>) dst(%dma_wait3A_145 : memref<128xf32, #tpu.memory_space<vmem>>)
    %dma_wait3A_151 = arith.constant 3 : i32
    %dma_wait3A_152 = arith.constant 3 : i32
    %dma_wait3A_153 = arith.constant 0 : i32
    %dma_wait3A_154 = tpu.memref_slice %arg11[%dma_wait3A_152, %dma_wait3A_153] : memref<4x128xf32, #tpu.memory_space<vmem>> -> memref<1x128xf32, #tpu.memory_space<vmem>>
    %dma_wait3A_155 = tpu.memref_squeeze %dma_wait3A_154 : memref<1x128xf32, #tpu.memory_space<vmem>> -> memref<128xf32, #tpu.memory_space<vmem>>
    %dma_wait3A_156 = arith.constant 0 : i32
    %dma_wait3A_157 = tpu.memref_slice %arg9[%dma_wait3A_151, %dma_wait3A_156] : memref<4x128xi32, #tpu.memory_space<vmem>> -> memref<1x128xi32, #tpu.memory_space<vmem>>
    %dma_wait3A_158 = tpu.memref_squeeze %dma_wait3A_157 : memref<1x128xi32, #tpu.memory_space<vmem>> -> memref<128xi32, #tpu.memory_space<vmem>>
    %dma_wait3A_159 = arith.constant 0 : i32
    %dma_wait3A_160 = tpu.memref_slice %arg3[%dma_wait3A_159] : memref<147456xf32, #tpu.memory_space<hbm>> -> memref<147456xf32, #tpu.memory_space<hbm>>
    tpu.wait_indirect_dma semaphore(%arg14 : memref<!tpu.dma_semaphore, #tpu.memory_space<semaphore_mem>>) src(%dma_wait3A_160 : memref<147456xf32, #tpu.memory_space<hbm>>) dst(%dma_wait3A_155 : memref<128xf32, #tpu.memory_space<vmem>>)
    %get3A = arith.constant 0 : index
    %get3A_161 = tpu.vector_load %arg12[%get3A] {strides = array<i32>} : memref<16xf32, #tpu.memory_space<vmem>>, vector<16xf32>,
    %get3A_162 = arith.constant 0 : i32
    %get3A_163 = arith.index_cast %get3A_162 : i32 to index
    %get3A_164 = arith.constant 0 : index
    %get3A_165 = tpu.vector_load %arg10[%get3A_163, %get3A_164] {strides = array<i32>} : memref<4x128xf32, #tpu.memory_space<vmem>>, vector<16xf32>,
    %get3A_166 = arith.constant 0 : i32
    %get3A_167 = arith.index_cast %get3A_166 : i32 to index
    %get3A_168 = arith.constant 0 : index
    %get3A_169 = tpu.vector_load %arg11[%get3A_167, %get3A_168] {strides = array<i32>} : memref<4x128xf32, #tpu.memory_space<vmem>>, vector<16xf32>,
    %add3A_170 = arith.addf %get3A_165, %get3A_169 : vector<16xf32>
    %add3A_171 = arith.addf %add3A_170, %get3A_161 : vector<16xf32>
    %swap3A = arith.constant 0 : index
    %swap3A_172 = tpu.vector_load %arg13[%swap3A] {strides = array<i32>} : memref<512xf32, #tpu.memory_space<vmem>>, vector<16xf32>,
    tpu.vector_store %arg13[%swap3A], %add3A_171 {strides = array<i32>} : memref<512xf32, #tpu.memory_space<vmem>>, vector<16xf32>,
    %get3A_173 = arith.constant 0 : i32
    %get3A_174 = arith.index_cast %get3A_173 : i32 to index
    %get3A_175 = arith.constant 16 : index
    %get3A_176 = tpu.vector_load %arg10[%get3A_174, %get3A_175] {strides = array<i32>} : memref<4x128xf32, #tpu.memory_space<vmem>>, vector<16xf32>,
    %get3A_177 = arith.constant 0 : i32
    %get3A_178 = arith.index_cast %get3A_177 : i32 to index
    %get3A_179 = arith.constant 16 : index
    %get3A_180 = tpu.vector_load %arg11[%get3A_178, %get3A_179] {strides = array<i32>} : memref<4x128xf32, #tpu.memory_space<vmem>>, vector<16xf32>,
    %add3A_181 = arith.addf %get3A_176, %get3A_180 : vector<16xf32>
    %add3A_182 = arith.addf %add3A_181, %get3A_161 : vector<16xf32>
    %swap3A_183 = arith.constant 16 : index
    %swap3A_184 = tpu.vector_load %arg13[%swap3A_183] {strides = array<i32>} : memref<512xf32, #tpu.memory_space<vmem>>, vector<16xf32>,
    tpu.vector_store %arg13[%swap3A_183], %add3A_182 {strides = array<i32>} : memref<512xf32, #tpu.memory_space<vmem>>, vector<16xf32>,
    %get3A_185 = arith.constant 0 : i32
    %get3A_186 = arith.index_cast %get3A_185 : i32 to index
    %get3A_187 = arith.constant 32 : index
    %get3A_188 = tpu.vector_load %arg10[%get3A_186, %get3A_187] {strides = array<i32>} : memref<4x128xf32, #tpu.memory_space<vmem>>, vector<16xf32>,
    %get3A_189 = arith.constant 0 : i32
    %get3A_190 = arith.index_cast %get3A_189 : i32 to index
    %get3A_191 = arith.constant 32 : index
    %get3A_192 = tpu.vector_load %arg11[%get3A_190, %get3A_191] {strides = array<i32>} : memref<4x128xf32, #tpu.memory_space<vmem>>, vector<16xf32>,
    %add3A_193 = arith.addf %get3A_188, %get3A_192 : vector<16xf32>
    %add3A_194 = arith.addf %add3A_193, %get3A_161 : vector<16xf32>
    %swap3A_195 = arith.constant 32 : index
    %swap3A_196 = tpu.vector_load %arg13[%swap3A_195] {strides = array<i32>} : memref<512xf32, #tpu.memory_space<vmem>>, vector<16xf32>,
    tpu.vector_store %arg13[%swap3A_195], %add3A_194 {strides = array<i32>} : memref<512xf32, #tpu.memory_space<vmem>>, vector<16xf32>,
    %get3A_197 = arith.constant 0 : i32
    %get3A_198 = arith.index_cast %get3A_197 : i32 to index
    %get3A_199 = arith.constant 48 : index
    %get3A_200 = tpu.vector_load %arg10[%get3A_198, %get3A_199] {strides = array<i32>} : memref<4x128xf32, #tpu.memory_space<vmem>>, vector<16xf32>,
    %get3A_201 = arith.constant 0 : i32
    %get3A_202 = arith.index_cast %get3A_201 : i32 to index
    %get3A_203 = arith.constant 48 : index
    %get3A_204 = tpu.vector_load %arg11[%get3A_202, %get3A_203] {strides = array<i32>} : memref<4x128xf32, #tpu.memory_space<vmem>>, vector<16xf32>,
    %add3A_205 = arith.addf %get3A_200, %get3A_204 : vector<16xf32>
    %add3A_206 = arith.addf %add3A_205, %get3A_161 : vector<16xf32>
    %swap3A_207 = arith.constant 48 : index
    %swap3A_208 = tpu.vector_load %arg13[%swap3A_207] {strides = array<i32>} : memref<512xf32, #tpu.memory_space<vmem>>, vector<16xf32>,
    tpu.vector_store %arg13[%swap3A_207], %add3A_206 {strides = array<i32>} : memref<512xf32, #tpu.memory_space<vmem>>, vector<16xf32>,
    %get3A_209 = arith.constant 0 : i32
    %get3A_210 = arith.index_cast %get3A_209 : i32 to index
    %get3A_211 = arith.constant 64 : index
    %get3A_212 = tpu.vector_load %arg10[%get3A_210, %get3A_211] {strides = array<i32>} : memref<4x128xf32, #tpu.memory_space<vmem>>, vector<16xf32>,
    %get3A_213 = arith.constant 0 : i32
    %get3A_214 = arith.index_cast %get3A_213 : i32 to index
    %get3A_215 = arith.constant 64 : index
    %get3A_216 = tpu.vector_load %arg11[%get3A_214, %get3A_215] {strides = array<i32>} : memref<4x128xf32, #tpu.memory_space<vmem>>, vector<16xf32>,
    %add3A_217 = arith.addf %get3A_212, %get3A_216 : vector<16xf32>
    %add3A_218 = arith.addf %add3A_217, %get3A_161 : vector<16xf32>
    %swap3A_219 = arith.constant 64 : index
    %swap3A_220 = tpu.vector_load %arg13[%swap3A_219] {strides = array<i32>} : memref<512xf32, #tpu.memory_space<vmem>>, vector<16xf32>,
    tpu.vector_store %arg13[%swap3A_219], %add3A_218 {strides = array<i32>} : memref<512xf32, #tpu.memory_space<vmem>>, vector<16xf32>,
    %get3A_221 = arith.constant 0 : i32
    %get3A_222 = arith.index_cast %get3A_221 : i32 to index
    %get3A_223 = arith.constant 80 : index
    %get3A_224 = tpu.vector_load %arg10[%get3A_222, %get3A_223] {strides = array<i32>} : memref<4x128xf32, #tpu.memory_space<vmem>>, vector<16xf32>,
    %get3A_225 = arith.constant 0 : i32
    %get3A_226 = arith.index_cast %get3A_225 : i32 to index
    %get3A_227 = arith.constant 80 : index
    %get3A_228 = tpu.vector_load %arg11[%get3A_226, %get3A_227] {strides = array<i32>} : memref<4x128xf32, #tpu.memory_space<vmem>>, vector<16xf32>,
    %add3A_229 = arith.addf %get3A_224, %get3A_228 : vector<16xf32>
    %add3A_230 = arith.addf %add3A_229, %get3A_161 : vector<16xf32>
    %swap3A_231 = arith.constant 80 : index
    %swap3A_232 = tpu.vector_load %arg13[%swap3A_231] {strides = array<i32>} : memref<512xf32, #tpu.memory_space<vmem>>, vector<16xf32>,
    tpu.vector_store %arg13[%swap3A_231], %add3A_230 {strides = array<i32>} : memref<512xf32, #tpu.memory_space<vmem>>, vector<16xf32>,
    %get3A_233 = arith.constant 0 : i32
    %get3A_234 = arith.index_cast %get3A_233 : i32 to index
    %get3A_235 = arith.constant 96 : index
    %get3A_236 = tpu.vector_load %arg10[%get3A_234, %get3A_235] {strides = array<i32>} : memref<4x128xf32, #tpu.memory_space<vmem>>, vector<16xf32>,
    %get3A_237 = arith.constant 0 : i32
    %get3A_238 = arith.index_cast %get3A_237 : i32 to index
    %get3A_239 = arith.constant 96 : index
    %get3A_240 = tpu.vector_load %arg11[%get3A_238, %get3A_239] {strides = array<i32>} : memref<4x128xf32, #tpu.memory_space<vmem>>, vector<16xf32>,
    %add3A_241 = arith.addf %get3A_236, %get3A_240 : vector<16xf32>
    %add3A_242 = arith.addf %add3A_241, %get3A_161 : vector<16xf32>
    %swap3A_243 = arith.constant 96 : index
    %swap3A_244 = tpu.vector_load %arg13[%swap3A_243] {strides = array<i32>} : memref<512xf32, #tpu.memory_space<vmem>>, vector<16xf32>,
    tpu.vector_store %arg13[%swap3A_243], %add3A_242 {strides = array<i32>} : memref<512xf32, #tpu.memory_space<vmem>>, vector<16xf32>,
    %get3A_245 = arith.constant 0 : i32
    %get3A_246 = arith.index_cast %get3A_245 : i32 to index
    %get3A_247 = arith.constant 112 : index
    %get3A_248 = tpu.vector_load %arg10[%get3A_246, %get3A_247] {strides = array<i32>} : memref<4x128xf32, #tpu.memory_space<vmem>>, vector<16xf32>,
    %get3A_249 = arith.constant 0 : i32
    %get3A_250 = arith.index_cast %get3A_249 : i32 to index
    %get3A_251 = arith.constant 112 : index
    %get3A_252 = tpu.vector_load %arg11[%get3A_250, %get3A_251] {strides = array<i32>} : memref<4x128xf32, #tpu.memory_space<vmem>>, vector<16xf32>,
    %add3A_253 = arith.addf %get3A_248, %get3A_252 : vector<16xf32>
    %add3A_254 = arith.addf %add3A_253, %get3A_161 : vector<16xf32>
    %swap3A_255 = arith.constant 112 : index
    %swap3A_256 = tpu.vector_load %arg13[%swap3A_255] {strides = array<i32>} : memref<512xf32, #tpu.memory_space<vmem>>, vector<16xf32>,
    tpu.vector_store %arg13[%swap3A_255], %add3A_254 {strides = array<i32>} : memref<512xf32, #tpu.memory_space<vmem>>, vector<16xf32>,
    %get3A_257 = arith.constant 1 : i32
    %get3A_258 = arith.index_cast %get3A_257 : i32 to index
    %get3A_259 = arith.constant 0 : index
    %get3A_260 = tpu.vector_load %arg10[%get3A_258, %get3A_259] {strides = array<i32>} : memref<4x128xf32, #tpu.memory_space<vmem>>, vector<16xf32>,
    %get3A_261 = arith.constant 1 : i32
    %get3A_262 = arith.index_cast %get3A_261 : i32 to index
    %get3A_263 = arith.constant 0 : index
    %get3A_264 = tpu.vector_load %arg11[%get3A_262, %get3A_263] {strides = array<i32>} : memref<4x128xf32, #tpu.memory_space<vmem>>, vector<16xf32>,
    %add3A_265 = arith.addf %get3A_260, %get3A_264 : vector<16xf32>
    %add3A_266 = arith.addf %add3A_265, %get3A_161 : vector<16xf32>
    %swap3A_267 = arith.constant 128 : index
    %swap3A_268 = tpu.vector_load %arg13[%swap3A_267] {strides = array<i32>} : memref<512xf32, #tpu.memory_space<vmem>>, vector<16xf32>,
    tpu.vector_store %arg13[%swap3A_267], %add3A_266 {strides = array<i32>} : memref<512xf32, #tpu.memory_space<vmem>>, vector<16xf32>,
    %get3A_269 = arith.constant 1 : i32
    %get3A_270 = arith.index_cast %get3A_269 : i32 to index
    %get3A_271 = arith.constant 16 : index
    %get3A_272 = tpu.vector_load %arg10[%get3A_270, %get3A_271] {strides = array<i32>} : memref<4x128xf32, #tpu.memory_space<vmem>>, vector<16xf32>,
    %get3A_273 = arith.constant 1 : i32
    %get3A_274 = arith.index_cast %get3A_273 : i32 to index
    %get3A_275 = arith.constant 16 : index
    %get3A_276 = tpu.vector_load %arg11[%get3A_274, %get3A_275] {strides = array<i32>} : memref<4x128xf32, #tpu.memory_space<vmem>>, vector<16xf32>,
    %add3A_277 = arith.addf %get3A_272, %get3A_276 : vector<16xf32>
    %add3A_278 = arith.addf %add3A_277, %get3A_161 : vector<16xf32>
    %swap3A_279 = arith.constant 144 : index
    %swap3A_280 = tpu.vector_load %arg13[%swap3A_279] {strides = array<i32>} : memref<512xf32, #tpu.memory_space<vmem>>, vector<16xf32>,
    tpu.vector_store %arg13[%swap3A_279], %add3A_278 {strides = array<i32>} : memref<512xf32, #tpu.memory_space<vmem>>, vector<16xf32>,
    %get3A_281 = arith.constant 1 : i32
    %get3A_282 = arith.index_cast %get3A_281 : i32 to index
    %get3A_283 = arith.constant 32 : index
    %get3A_284 = tpu.vector_load %arg10[%get3A_282, %get3A_283] {strides = array<i32>} : memref<4x128xf32, #tpu.memory_space<vmem>>, vector<16xf32>,
    %get3A_285 = arith.constant 1 : i32
    %get3A_286 = arith.index_cast %get3A_285 : i32 to index
    %get3A_287 = arith.constant 32 : index
    %get3A_288 = tpu.vector_load %arg11[%get3A_286, %get3A_287] {strides = array<i32>} : memref<4x128xf32, #tpu.memory_space<vmem>>, vector<16xf32>,
    %add3A_289 = arith.addf %get3A_284, %get3A_288 : vector<16xf32>
    %add3A_290 = arith.addf %add3A_289, %get3A_161 : vector<16xf32>
    %swap3A_291 = arith.constant 160 : index
    %swap3A_292 = tpu.vector_load %arg13[%swap3A_291] {strides = array<i32>} : memref<512xf32, #tpu.memory_space<vmem>>, vector<16xf32>,
    tpu.vector_store %arg13[%swap3A_291], %add3A_290 {strides = array<i32>} : memref<512xf32, #tpu.memory_space<vmem>>, vector<16xf32>,
    %get3A_293 = arith.constant 1 : i32
    %get3A_294 = arith.index_cast %get3A_293 : i32 to index
    %get3A_295 = arith.constant 48 : index
    %get3A_296 = tpu.vector_load %arg10[%get3A_294, %get3A_295] {strides = array<i32>} : memref<4x128xf32, #tpu.memory_space<vmem>>, vector<16xf32>,
    %get3A_297 = arith.constant 1 : i32
    %get3A_298 = arith.index_cast %get3A_297 : i32 to index
    %get3A_299 = arith.constant 48 : index
    %get3A_300 = tpu.vector_load %arg11[%get3A_298, %get3A_299] {strides = array<i32>} : memref<4x128xf32, #tpu.memory_space<vmem>>, vector<16xf32>,
    %add3A_301 = arith.addf %get3A_296, %get3A_300 : vector<16xf32>
    %add3A_302 = arith.addf %add3A_301, %get3A_161 : vector<16xf32>
    %swap3A_303 = arith.constant 176 : index
    %swap3A_304 = tpu.vector_load %arg13[%swap3A_303] {strides = array<i32>} : memref<512xf32, #tpu.memory_space<vmem>>, vector<16xf32>,
    tpu.vector_store %arg13[%swap3A_303], %add3A_302 {strides = array<i32>} : memref<512xf32, #tpu.memory_space<vmem>>, vector<16xf32>,
    %get3A_305 = arith.constant 1 : i32
    %get3A_306 = arith.index_cast %get3A_305 : i32 to index
    %get3A_307 = arith.constant 64 : index
    %get3A_308 = tpu.vector_load %arg10[%get3A_306, %get3A_307] {strides = array<i32>} : memref<4x128xf32, #tpu.memory_space<vmem>>, vector<16xf32>,
    %get3A_309 = arith.constant 1 : i32
    %get3A_310 = arith.index_cast %get3A_309 : i32 to index
    %get3A_311 = arith.constant 64 : index
    %get3A_312 = tpu.vector_load %arg11[%get3A_310, %get3A_311] {strides = array<i32>} : memref<4x128xf32, #tpu.memory_space<vmem>>, vector<16xf32>,
    %add3A_313 = arith.addf %get3A_308, %get3A_312 : vector<16xf32>
    %add3A_314 = arith.addf %add3A_313, %get3A_161 : vector<16xf32>
    %swap3A_315 = arith.constant 192 : index
    %swap3A_316 = tpu.vector_load %arg13[%swap3A_315] {strides = array<i32>} : memref<512xf32, #tpu.memory_space<vmem>>, vector<16xf32>,
    tpu.vector_store %arg13[%swap3A_315], %add3A_314 {strides = array<i32>} : memref<512xf32, #tpu.memory_space<vmem>>, vector<16xf32>,
    %get3A_317 = arith.constant 1 : i32
    %get3A_318 = arith.index_cast %get3A_317 : i32 to index
    %get3A_319 = arith.constant 80 : index
    %get3A_320 = tpu.vector_load %arg10[%get3A_318, %get3A_319] {strides = array<i32>} : memref<4x128xf32, #tpu.memory_space<vmem>>, vector<16xf32>,
    %get3A_321 = arith.constant 1 : i32
    %get3A_322 = arith.index_cast %get3A_321 : i32 to index
    %get3A_323 = arith.constant 80 : index
    %get3A_324 = tpu.vector_load %arg11[%get3A_322, %get3A_323] {strides = array<i32>} : memref<4x128xf32, #tpu.memory_space<vmem>>, vector<16xf32>,
    %add3A_325 = arith.addf %get3A_320, %get3A_324 : vector<16xf32>
    %add3A_326 = arith.addf %add3A_325, %get3A_161 : vector<16xf32>
    %swap3A_327 = arith.constant 208 : index
    %swap3A_328 = tpu.vector_load %arg13[%swap3A_327] {strides = array<i32>} : memref<512xf32, #tpu.memory_space<vmem>>, vector<16xf32>,
    tpu.vector_store %arg13[%swap3A_327], %add3A_326 {strides = array<i32>} : memref<512xf32, #tpu.memory_space<vmem>>, vector<16xf32>,
    %get3A_329 = arith.constant 1 : i32
    %get3A_330 = arith.index_cast %get3A_329 : i32 to index
    %get3A_331 = arith.constant 96 : index
    %get3A_332 = tpu.vector_load %arg10[%get3A_330, %get3A_331] {strides = array<i32>} : memref<4x128xf32, #tpu.memory_space<vmem>>, vector<16xf32>,
    %get3A_333 = arith.constant 1 : i32
    %get3A_334 = arith.index_cast %get3A_333 : i32 to index
    %get3A_335 = arith.constant 96 : index
    %get3A_336 = tpu.vector_load %arg11[%get3A_334, %get3A_335] {strides = array<i32>} : memref<4x128xf32, #tpu.memory_space<vmem>>, vector<16xf32>,
    %add3A_337 = arith.addf %get3A_332, %get3A_336 : vector<16xf32>
    %add3A_338 = arith.addf %add3A_337, %get3A_161 : vector<16xf32>
    %swap3A_339 = arith.constant 224 : index
    %swap3A_340 = tpu.vector_load %arg13[%swap3A_339] {strides = array<i32>} : memref<512xf32, #tpu.memory_space<vmem>>, vector<16xf32>,
    tpu.vector_store %arg13[%swap3A_339], %add3A_338 {strides = array<i32>} : memref<512xf32, #tpu.memory_space<vmem>>, vector<16xf32>,
    %get3A_341 = arith.constant 1 : i32
    %get3A_342 = arith.index_cast %get3A_341 : i32 to index
    %get3A_343 = arith.constant 112 : index
    %get3A_344 = tpu.vector_load %arg10[%get3A_342, %get3A_343] {strides = array<i32>} : memref<4x128xf32, #tpu.memory_space<vmem>>, vector<16xf32>,
    %get3A_345 = arith.constant 1 : i32
    %get3A_346 = arith.index_cast %get3A_345 : i32 to index
    %get3A_347 = arith.constant 112 : index
    %get3A_348 = tpu.vector_load %arg11[%get3A_346, %get3A_347] {strides = array<i32>} : memref<4x128xf32, #tpu.memory_space<vmem>>, vector<16xf32>,
    %add3A_349 = arith.addf %get3A_344, %get3A_348 : vector<16xf32>
    %add3A_350 = arith.addf %add3A_349, %get3A_161 : vector<16xf32>
    %swap3A_351 = arith.constant 240 : index
    %swap3A_352 = tpu.vector_load %arg13[%swap3A_351] {strides = array<i32>} : memref<512xf32, #tpu.memory_space<vmem>>, vector<16xf32>,
    tpu.vector_store %arg13[%swap3A_351], %add3A_350 {strides = array<i32>} : memref<512xf32, #tpu.memory_space<vmem>>, vector<16xf32>,
    %get3A_353 = arith.constant 2 : i32
    %get3A_354 = arith.index_cast %get3A_353 : i32 to index
    %get3A_355 = arith.constant 0 : index
    %get3A_356 = tpu.vector_load %arg10[%get3A_354, %get3A_355] {strides = array<i32>} : memref<4x128xf32, #tpu.memory_space<vmem>>, vector<16xf32>,
    %get3A_357 = arith.constant 2 : i32
    %get3A_358 = arith.index_cast %get3A_357 : i32 to index
    %get3A_359 = arith.constant 0 : index
    %get3A_360 = tpu.vector_load %arg11[%get3A_358, %get3A_359] {strides = array<i32>} : memref<4x128xf32, #tpu.memory_space<vmem>>, vector<16xf32>,
    %add3A_361 = arith.addf %get3A_356, %get3A_360 : vector<16xf32>
    %add3A_362 = arith.addf %add3A_361, %get3A_161 : vector<16xf32>
    %swap3A_363 = arith.constant 256 : index
    %swap3A_364 = tpu.vector_load %arg13[%swap3A_363] {strides = array<i32>} : memref<512xf32, #tpu.memory_space<vmem>>, vector<16xf32>,
    tpu.vector_store %arg13[%swap3A_363], %add3A_362 {strides = array<i32>} : memref<512xf32, #tpu.memory_space<vmem>>, vector<16xf32>,
    %get3A_365 = arith.constant 2 : i32
    %get3A_366 = arith.index_cast %get3A_365 : i32 to index
    %get3A_367 = arith.constant 16 : index
    %get3A_368 = tpu.vector_load %arg10[%get3A_366, %get3A_367] {strides = array<i32>} : memref<4x128xf32, #tpu.memory_space<vmem>>, vector<16xf32>,
    %get3A_369 = arith.constant 2 : i32
    %get3A_370 = arith.index_cast %get3A_369 : i32 to index
    %get3A_371 = arith.constant 16 : index
    %get3A_372 = tpu.vector_load %arg11[%get3A_370, %get3A_371] {strides = array<i32>} : memref<4x128xf32, #tpu.memory_space<vmem>>, vector<16xf32>,
    %add3A_373 = arith.addf %get3A_368, %get3A_372 : vector<16xf32>
    %add3A_374 = arith.addf %add3A_373, %get3A_161 : vector<16xf32>
    %swap3A_375 = arith.constant 272 : index
    %swap3A_376 = tpu.vector_load %arg13[%swap3A_375] {strides = array<i32>} : memref<512xf32, #tpu.memory_space<vmem>>, vector<16xf32>,
    tpu.vector_store %arg13[%swap3A_375], %add3A_374 {strides = array<i32>} : memref<512xf32, #tpu.memory_space<vmem>>, vector<16xf32>,
    %get3A_377 = arith.constant 2 : i32
    %get3A_378 = arith.index_cast %get3A_377 : i32 to index
    %get3A_379 = arith.constant 32 : index
    %get3A_380 = tpu.vector_load %arg10[%get3A_378, %get3A_379] {strides = array<i32>} : memref<4x128xf32, #tpu.memory_space<vmem>>, vector<16xf32>,
    %get3A_381 = arith.constant 2 : i32
    %get3A_382 = arith.index_cast %get3A_381 : i32 to index
    %get3A_383 = arith.constant 32 : index
    %get3A_384 = tpu.vector_load %arg11[%get3A_382, %get3A_383] {strides = array<i32>} : memref<4x128xf32, #tpu.memory_space<vmem>>, vector<16xf32>,
    %add3A_385 = arith.addf %get3A_380, %get3A_384 : vector<16xf32>
    %add3A_386 = arith.addf %add3A_385, %get3A_161 : vector<16xf32>
    %swap3A_387 = arith.constant 288 : index
    %swap3A_388 = tpu.vector_load %arg13[%swap3A_387] {strides = array<i32>} : memref<512xf32, #tpu.memory_space<vmem>>, vector<16xf32>,
    tpu.vector_store %arg13[%swap3A_387], %add3A_386 {strides = array<i32>} : memref<512xf32, #tpu.memory_space<vmem>>, vector<16xf32>,
    %get3A_389 = arith.constant 2 : i32
    %get3A_390 = arith.index_cast %get3A_389 : i32 to index
    %get3A_391 = arith.constant 48 : index
    %get3A_392 = tpu.vector_load %arg10[%get3A_390, %get3A_391] {strides = array<i32>} : memref<4x128xf32, #tpu.memory_space<vmem>>, vector<16xf32>,
    %get3A_393 = arith.constant 2 : i32
    %get3A_394 = arith.index_cast %get3A_393 : i32 to index
    %get3A_395 = arith.constant 48 : index
    %get3A_396 = tpu.vector_load %arg11[%get3A_394, %get3A_395] {strides = array<i32>} : memref<4x128xf32, #tpu.memory_space<vmem>>, vector<16xf32>,
    %add3A_397 = arith.addf %get3A_392, %get3A_396 : vector<16xf32>
    %add3A_398 = arith.addf %add3A_397, %get3A_161 : vector<16xf32>
    %swap3A_399 = arith.constant 304 : index
    %swap3A_400 = tpu.vector_load %arg13[%swap3A_399] {strides = array<i32>} : memref<512xf32, #tpu.memory_space<vmem>>, vector<16xf32>,
    tpu.vector_store %arg13[%swap3A_399], %add3A_398 {strides = array<i32>} : memref<512xf32, #tpu.memory_space<vmem>>, vector<16xf32>,
    %get3A_401 = arith.constant 2 : i32
    %get3A_402 = arith.index_cast %get3A_401 : i32 to index
    %get3A_403 = arith.constant 64 : index
    %get3A_404 = tpu.vector_load %arg10[%get3A_402, %get3A_403] {strides = array<i32>} : memref<4x128xf32, #tpu.memory_space<vmem>>, vector<16xf32>,
    %get3A_405 = arith.constant 2 : i32
    %get3A_406 = arith.index_cast %get3A_405 : i32 to index
    %get3A_407 = arith.constant 64 : index
    %get3A_408 = tpu.vector_load %arg11[%get3A_406, %get3A_407] {strides = array<i32>} : memref<4x128xf32, #tpu.memory_space<vmem>>, vector<16xf32>,
    %add3A_409 = arith.addf %get3A_404, %get3A_408 : vector<16xf32>
    %add3A_410 = arith.addf %add3A_409, %get3A_161 : vector<16xf32>
    %swap3A_411 = arith.constant 320 : index
    %swap3A_412 = tpu.vector_load %arg13[%swap3A_411] {strides = array<i32>} : memref<512xf32, #tpu.memory_space<vmem>>, vector<16xf32>,
    tpu.vector_store %arg13[%swap3A_411], %add3A_410 {strides = array<i32>} : memref<512xf32, #tpu.memory_space<vmem>>, vector<16xf32>,
    %get3A_413 = arith.constant 2 : i32
    %get3A_414 = arith.index_cast %get3A_413 : i32 to index
    %get3A_415 = arith.constant 80 : index
    %get3A_416 = tpu.vector_load %arg10[%get3A_414, %get3A_415] {strides = array<i32>} : memref<4x128xf32, #tpu.memory_space<vmem>>, vector<16xf32>,
    %get3A_417 = arith.constant 2 : i32
    %get3A_418 = arith.index_cast %get3A_417 : i32 to index
    %get3A_419 = arith.constant 80 : index
    %get3A_420 = tpu.vector_load %arg11[%get3A_418, %get3A_419] {strides = array<i32>} : memref<4x128xf32, #tpu.memory_space<vmem>>, vector<16xf32>,
    %add3A_421 = arith.addf %get3A_416, %get3A_420 : vector<16xf32>
    %add3A_422 = arith.addf %add3A_421, %get3A_161 : vector<16xf32>
    %swap3A_423 = arith.constant 336 : index
    %swap3A_424 = tpu.vector_load %arg13[%swap3A_423] {strides = array<i32>} : memref<512xf32, #tpu.memory_space<vmem>>, vector<16xf32>,
    tpu.vector_store %arg13[%swap3A_423], %add3A_422 {strides = array<i32>} : memref<512xf32, #tpu.memory_space<vmem>>, vector<16xf32>,
    %get3A_425 = arith.constant 2 : i32
    %get3A_426 = arith.index_cast %get3A_425 : i32 to index
    %get3A_427 = arith.constant 96 : index
    %get3A_428 = tpu.vector_load %arg10[%get3A_426, %get3A_427] {strides = array<i32>} : memref<4x128xf32, #tpu.memory_space<vmem>>, vector<16xf32>,
    %get3A_429 = arith.constant 2 : i32
    %get3A_430 = arith.index_cast %get3A_429 : i32 to index
    %get3A_431 = arith.constant 96 : index
    %get3A_432 = tpu.vector_load %arg11[%get3A_430, %get3A_431] {strides = array<i32>} : memref<4x128xf32, #tpu.memory_space<vmem>>, vector<16xf32>,
    %add3A_433 = arith.addf %get3A_428, %get3A_432 : vector<16xf32>
    %add3A_434 = arith.addf %add3A_433, %get3A_161 : vector<16xf32>
    %swap3A_435 = arith.constant 352 : index
    %swap3A_436 = tpu.vector_load %arg13[%swap3A_435] {strides = array<i32>} : memref<512xf32, #tpu.memory_space<vmem>>, vector<16xf32>,
    tpu.vector_store %arg13[%swap3A_435], %add3A_434 {strides = array<i32>} : memref<512xf32, #tpu.memory_space<vmem>>, vector<16xf32>,
    %get3A_437 = arith.constant 2 : i32
    %get3A_438 = arith.index_cast %get3A_437 : i32 to index
    %get3A_439 = arith.constant 112 : index
    %get3A_440 = tpu.vector_load %arg10[%get3A_438, %get3A_439] {strides = array<i32>} : memref<4x128xf32, #tpu.memory_space<vmem>>, vector<16xf32>,
    %get3A_441 = arith.constant 2 : i32
    %get3A_442 = arith.index_cast %get3A_441 : i32 to index
    %get3A_443 = arith.constant 112 : index
    %get3A_444 = tpu.vector_load %arg11[%get3A_442, %get3A_443] {strides = array<i32>} : memref<4x128xf32, #tpu.memory_space<vmem>>, vector<16xf32>,
    %add3A_445 = arith.addf %get3A_440, %get3A_444 : vector<16xf32>
    %add3A_446 = arith.addf %add3A_445, %get3A_161 : vector<16xf32>
    %swap3A_447 = arith.constant 368 : index
    %swap3A_448 = tpu.vector_load %arg13[%swap3A_447] {strides = array<i32>} : memref<512xf32, #tpu.memory_space<vmem>>, vector<16xf32>,
    tpu.vector_store %arg13[%swap3A_447], %add3A_446 {strides = array<i32>} : memref<512xf32, #tpu.memory_space<vmem>>, vector<16xf32>,
    %get3A_449 = arith.constant 3 : i32
    %get3A_450 = arith.index_cast %get3A_449 : i32 to index
    %get3A_451 = arith.constant 0 : index
    %get3A_452 = tpu.vector_load %arg10[%get3A_450, %get3A_451] {strides = array<i32>} : memref<4x128xf32, #tpu.memory_space<vmem>>, vector<16xf32>,
    %get3A_453 = arith.constant 3 : i32
    %get3A_454 = arith.index_cast %get3A_453 : i32 to index
    %get3A_455 = arith.constant 0 : index
    %get3A_456 = tpu.vector_load %arg11[%get3A_454, %get3A_455] {strides = array<i32>} : memref<4x128xf32, #tpu.memory_space<vmem>>, vector<16xf32>,
    %add3A_457 = arith.addf %get3A_452, %get3A_456 : vector<16xf32>
    %add3A_458 = arith.addf %add3A_457, %get3A_161 : vector<16xf32>
    %swap3A_459 = arith.constant 384 : index
    %swap3A_460 = tpu.vector_load %arg13[%swap3A_459] {strides = array<i32>} : memref<512xf32, #tpu.memory_space<vmem>>, vector<16xf32>,
    tpu.vector_store %arg13[%swap3A_459], %add3A_458 {strides = array<i32>} : memref<512xf32, #tpu.memory_space<vmem>>, vector<16xf32>,
    %get3A_461 = arith.constant 3 : i32
    %get3A_462 = arith.index_cast %get3A_461 : i32 to index
    %get3A_463 = arith.constant 16 : index
    %get3A_464 = tpu.vector_load %arg10[%get3A_462, %get3A_463] {strides = array<i32>} : memref<4x128xf32, #tpu.memory_space<vmem>>, vector<16xf32>,
    %get3A_465 = arith.constant 3 : i32
    %get3A_466 = arith.index_cast %get3A_465 : i32 to index
    %get3A_467 = arith.constant 16 : index
    %get3A_468 = tpu.vector_load %arg11[%get3A_466, %get3A_467] {strides = array<i32>} : memref<4x128xf32, #tpu.memory_space<vmem>>, vector<16xf32>,
    %add3A_469 = arith.addf %get3A_464, %get3A_468 : vector<16xf32>
    %add3A_470 = arith.addf %add3A_469, %get3A_161 : vector<16xf32>
    %swap3A_471 = arith.constant 400 : index
    %swap3A_472 = tpu.vector_load %arg13[%swap3A_471] {strides = array<i32>} : memref<512xf32, #tpu.memory_space<vmem>>, vector<16xf32>,
    tpu.vector_store %arg13[%swap3A_471], %add3A_470 {strides = array<i32>} : memref<512xf32, #tpu.memory_space<vmem>>, vector<16xf32>,
    %get3A_473 = arith.constant 3 : i32
    %get3A_474 = arith.index_cast %get3A_473 : i32 to index
    %get3A_475 = arith.constant 32 : index
    %get3A_476 = tpu.vector_load %arg10[%get3A_474, %get3A_475] {strides = array<i32>} : memref<4x128xf32, #tpu.memory_space<vmem>>, vector<16xf32>,
    %get3A_477 = arith.constant 3 : i32
    %get3A_478 = arith.index_cast %get3A_477 : i32 to index
    %get3A_479 = arith.constant 32 : index
    %get3A_480 = tpu.vector_load %arg11[%get3A_478, %get3A_479] {strides = array<i32>} : memref<4x128xf32, #tpu.memory_space<vmem>>, vector<16xf32>,
    %add3A_481 = arith.addf %get3A_476, %get3A_480 : vector<16xf32>
    %add3A_482 = arith.addf %add3A_481, %get3A_161 : vector<16xf32>
    %swap3A_483 = arith.constant 416 : index
    %swap3A_484 = tpu.vector_load %arg13[%swap3A_483] {strides = array<i32>} : memref<512xf32, #tpu.memory_space<vmem>>, vector<16xf32>,
    tpu.vector_store %arg13[%swap3A_483], %add3A_482 {strides = array<i32>} : memref<512xf32, #tpu.memory_space<vmem>>, vector<16xf32>,
    %get3A_485 = arith.constant 3 : i32
    %get3A_486 = arith.index_cast %get3A_485 : i32 to index
    %get3A_487 = arith.constant 48 : index
    %get3A_488 = tpu.vector_load %arg10[%get3A_486, %get3A_487] {strides = array<i32>} : memref<4x128xf32, #tpu.memory_space<vmem>>, vector<16xf32>,
    %get3A_489 = arith.constant 3 : i32
    %get3A_490 = arith.index_cast %get3A_489 : i32 to index
    %get3A_491 = arith.constant 48 : index
    %get3A_492 = tpu.vector_load %arg11[%get3A_490, %get3A_491] {strides = array<i32>} : memref<4x128xf32, #tpu.memory_space<vmem>>, vector<16xf32>,
    %add3A_493 = arith.addf %get3A_488, %get3A_492 : vector<16xf32>
    %add3A_494 = arith.addf %add3A_493, %get3A_161 : vector<16xf32>
    %swap3A_495 = arith.constant 432 : index
    %swap3A_496 = tpu.vector_load %arg13[%swap3A_495] {strides = array<i32>} : memref<512xf32, #tpu.memory_space<vmem>>, vector<16xf32>,
    tpu.vector_store %arg13[%swap3A_495], %add3A_494 {strides = array<i32>} : memref<512xf32, #tpu.memory_space<vmem>>, vector<16xf32>,
    %get3A_497 = arith.constant 3 : i32
    %get3A_498 = arith.index_cast %get3A_497 : i32 to index
    %get3A_499 = arith.constant 64 : index
    %get3A_500 = tpu.vector_load %arg10[%get3A_498, %get3A_499] {strides = array<i32>} : memref<4x128xf32, #tpu.memory_space<vmem>>, vector<16xf32>,
    %get3A_501 = arith.constant 3 : i32
    %get3A_502 = arith.index_cast %get3A_501 : i32 to index
    %get3A_503 = arith.constant 64 : index
    %get3A_504 = tpu.vector_load %arg11[%get3A_502, %get3A_503] {strides = array<i32>} : memref<4x128xf32, #tpu.memory_space<vmem>>, vector<16xf32>,
    %add3A_505 = arith.addf %get3A_500, %get3A_504 : vector<16xf32>
    %add3A_506 = arith.addf %add3A_505, %get3A_161 : vector<16xf32>
    %swap3A_507 = arith.constant 448 : index
    %swap3A_508 = tpu.vector_load %arg13[%swap3A_507] {strides = array<i32>} : memref<512xf32, #tpu.memory_space<vmem>>, vector<16xf32>,
    tpu.vector_store %arg13[%swap3A_507], %add3A_506 {strides = array<i32>} : memref<512xf32, #tpu.memory_space<vmem>>, vector<16xf32>,
    %get3A_509 = arith.constant 3 : i32
    %get3A_510 = arith.index_cast %get3A_509 : i32 to index
    %get3A_511 = arith.constant 80 : index
    %get3A_512 = tpu.vector_load %arg10[%get3A_510, %get3A_511] {strides = array<i32>} : memref<4x128xf32, #tpu.memory_space<vmem>>, vector<16xf32>,
    %get3A_513 = arith.constant 3 : i32
    %get3A_514 = arith.index_cast %get3A_513 : i32 to index
    %get3A_515 = arith.constant 80 : index
    %get3A_516 = tpu.vector_load %arg11[%get3A_514, %get3A_515] {strides = array<i32>} : memref<4x128xf32, #tpu.memory_space<vmem>>, vector<16xf32>,
    %add3A_517 = arith.addf %get3A_512, %get3A_516 : vector<16xf32>
    %add3A_518 = arith.addf %add3A_517, %get3A_161 : vector<16xf32>
    %swap3A_519 = arith.constant 464 : index
    %swap3A_520 = tpu.vector_load %arg13[%swap3A_519] {strides = array<i32>} : memref<512xf32, #tpu.memory_space<vmem>>, vector<16xf32>,
    tpu.vector_store %arg13[%swap3A_519], %add3A_518 {strides = array<i32>} : memref<512xf32, #tpu.memory_space<vmem>>, vector<16xf32>,
    %get3A_521 = arith.constant 3 : i32
    %get3A_522 = arith.index_cast %get3A_521 : i32 to index
    %get3A_523 = arith.constant 96 : index
    %get3A_524 = tpu.vector_load %arg10[%get3A_522, %get3A_523] {strides = array<i32>} : memref<4x128xf32, #tpu.memory_space<vmem>>, vector<16xf32>,
    %get3A_525 = arith.constant 3 : i32
    %get3A_526 = arith.index_cast %get3A_525 : i32 to index
    %get3A_527 = arith.constant 96 : index
    %get3A_528 = tpu.vector_load %arg11[%get3A_526, %get3A_527] {strides = array<i32>} : memref<4x128xf32, #tpu.memory_space<vmem>>, vector<16xf32>,
    %add3A_529 = arith.addf %get3A_524, %get3A_528 : vector<16xf32>
    %add3A_530 = arith.addf %add3A_529, %get3A_161 : vector<16xf32>
    %swap3A_531 = arith.constant 480 : index
    %swap3A_532 = tpu.vector_load %arg13[%swap3A_531] {strides = array<i32>} : memref<512xf32, #tpu.memory_space<vmem>>, vector<16xf32>,
    tpu.vector_store %arg13[%swap3A_531], %add3A_530 {strides = array<i32>} : memref<512xf32, #tpu.memory_space<vmem>>, vector<16xf32>,
    %get3A_533 = arith.constant 3 : i32
    %get3A_534 = arith.index_cast %get3A_533 : i32 to index
    %get3A_535 = arith.constant 112 : index
    %get3A_536 = tpu.vector_load %arg10[%get3A_534, %get3A_535] {strides = array<i32>} : memref<4x128xf32, #tpu.memory_space<vmem>>, vector<16xf32>,
    %get3A_537 = arith.constant 3 : i32
    %get3A_538 = arith.index_cast %get3A_537 : i32 to index
    %get3A_539 = arith.constant 112 : index
    %get3A_540 = tpu.vector_load %arg11[%get3A_538, %get3A_539] {strides = array<i32>} : memref<4x128xf32, #tpu.memory_space<vmem>>, vector<16xf32>,
    %add3A_541 = arith.addf %get3A_536, %get3A_540 : vector<16xf32>
    %add3A_542 = arith.addf %add3A_541, %get3A_161 : vector<16xf32>
    %swap3A_543 = arith.constant 496 : index
    %swap3A_544 = tpu.vector_load %arg13[%swap3A_543] {strides = array<i32>} : memref<512xf32, #tpu.memory_space<vmem>>, vector<16xf32>,
    tpu.vector_store %arg13[%swap3A_543], %add3A_542 {strides = array<i32>} : memref<512xf32, #tpu.memory_space<vmem>>, vector<16xf32>,
    %mul3A_545 = arith.constant 512 : i32
    %mul3A_546 = arith.muli %add3A, %mul3A_545 : i32
    "tpu.region"() ({
      %run_scoped3A = tpu.sem_alloc : memref<!tpu.dma_semaphore, #tpu.memory_space<semaphore_mem>>
      %dma_start3A_547 = tpu.memref_slice %arg7[%mul3A_546] : memref<16384xf32, #tpu.memory_space<hbm>> -> memref<512xf32, #tpu.memory_space<hbm>>
      %dma_start3A_548 = tpu.memref_slice %arg7[%mul3A_546] : memref<16384xf32, #tpu.memory_space<hbm>> -> memref<512xf32, #tpu.memory_space<hbm>>
      tpu.enqueue_dma source(%arg13 : memref<512xf32, #tpu.memory_space<vmem>>) target(%dma_start3A_548 : memref<512xf32, #tpu.memory_space<hbm>>) target_semaphore(%run_scoped3A : memref<!tpu.dma_semaphore, #tpu.memory_space<semaphore_mem>>)
      %dma_wait3A_549 = tpu.memref_slice %arg7[%mul3A_546] : memref<16384xf32, #tpu.memory_space<hbm>> -> memref<512xf32, #tpu.memory_space<hbm>>
      %dma_wait3A_550 = tpu.memref_slice %arg7[%mul3A_546] : memref<16384xf32, #tpu.memory_space<hbm>> -> memref<512xf32, #tpu.memory_space<hbm>>
      tpu.wait_dma2 semaphore(%run_scoped3A : memref<!tpu.dma_semaphore, #tpu.memory_space<semaphore_mem>>) src(%arg13 : memref<512xf32, #tpu.memory_space<vmem>>) dst(%dma_wait3A_550 : memref<512xf32, #tpu.memory_space<hbm>>)
      tpu.yield
    }) : () -> ()
    return
  }
}

module attributes {stable_mosaic.version = 14 : i64} {
  func.func @_proj_tc_kernel(%arg0: i32, %arg1: memref<32x73728xf32, #tpu.memory_space<vmem>>, %arg2: memref<32x128xf32, #tpu.memory_space<vmem>>, %arg3: memref<1x73728xf32, #tpu.memory_space<vmem>>) attributes {dimension_semantics = [#tpu.dimension_semantics<arbitrary>], iteration_bounds = array<i64: 2>, scalar_prefetch = 0 : i64, scratch_operands = 0 : i64, tpu.core_type = #tpu.core_type<tc>, window_params = [{transform_indices = @transform_0, window_bounds = array<i64: 32, 73728>}, {pipeline_mode = #tpu.pipeline_mode<synchronous>, transform_indices = @transform_1, window_bounds = array<i64: 32, 128>}, {transform_indices = @transform_2, window_bounds = array<i64: 1, 73728>}]} {
    %get3A = arith.constant 0 : index
    %get3A_0 = arith.constant 0 : index
    %get3A_1 = vector.load %arg1[%get3A, %get3A_0] : memref<32x73728xf32, #tpu.memory_space<vmem>>, vector<32x73728xf32>
    %get3A_2 = arith.constant 0 : index
    %get3A_3 = arith.constant 0 : index
    %get3A_4 = vector.load %arg2[%get3A_2, %get3A_3] : memref<32x128xf32, #tpu.memory_space<vmem>>, vector<32x1xf32>
    %mul3A = vector.broadcast %get3A_4 : vector<32x1xf32> to vector<32x73728xf32>
    %mul3A_5 = arith.mulf %get3A_1, %mul3A : vector<32x73728xf32>
    %reduce_sum3A = arith.constant dense<0.000000e+00> : vector<73728xf32>
    %reduce_sum3A_6 = vector.multi_reduction <add>, %mul3A_5, %reduce_sum3A [0] : vector<32x73728xf32> to vector<73728xf32>
    %broadcast_in_dim3A = vector.shape_cast %reduce_sum3A_6 : vector<73728xf32> to vector<1x73728xf32>
    %swap3A = arith.constant 0 : index
    %swap3A_7 = arith.constant 0 : index
    %swap3A_8 = vector.load %arg3[%swap3A, %swap3A_7] : memref<1x73728xf32, #tpu.memory_space<vmem>>, vector<1x73728xf32>
    tpu.vector_store %arg3[%swap3A, %swap3A_7], %broadcast_in_dim3A {strides = array<i32>} : memref<1x73728xf32, #tpu.memory_space<vmem>>, vector<1x73728xf32>,
    return
  }
  func.func @transform_0(%arg0: i32) -> (i32, i32) {
    %c0_i32 = arith.constant 0 : i32
    %c0_i32_0 = arith.constant 0 : i32
    return %c0_i32, %arg0 : i32, i32
  }
  func.func @transform_1(%arg0: i32) -> (i32, i32) {
    %c0_i32 = arith.constant 0 : i32
    %c0_i32_0 = arith.constant 0 : i32
    %c0_i32_1 = arith.constant 0 : i32
    return %c0_i32, %c0_i32_0 : i32, i32
  }
  func.func @transform_2(%arg0: i32) -> (i32, i32) {
    %c0_i32 = arith.constant 0 : i32
    %c0_i32_0 = arith.constant 0 : i32
    return %c0_i32, %arg0 : i32, i32
  }
}

module attributes {stable_mosaic.version = 14 : i64} {
  func.func @_proj_tc_kernel(%arg0: i32, %arg1: memref<32x73728xf32, #tpu.memory_space<vmem>>, %arg2: memref<32x128xf32, #tpu.memory_space<vmem>>, %arg3: memref<1x73728xf32, #tpu.memory_space<vmem>>) attributes {dimension_semantics = [#tpu.dimension_semantics<arbitrary>], iteration_bounds = array<i64: 14>, scalar_prefetch = 0 : i64, scratch_operands = 0 : i64, tpu.core_type = #tpu.core_type<tc>, window_params = [{transform_indices = @transform_0, window_bounds = array<i64: 32, 73728>}, {pipeline_mode = #tpu.pipeline_mode<synchronous>, transform_indices = @transform_1, window_bounds = array<i64: 32, 128>}, {transform_indices = @transform_2, window_bounds = array<i64: 1, 73728>}]} {
    %get3A = arith.constant 0 : index
    %get3A_0 = arith.constant 0 : index
    %get3A_1 = vector.load %arg1[%get3A, %get3A_0] : memref<32x73728xf32, #tpu.memory_space<vmem>>, vector<32x73728xf32>
    %get3A_2 = arith.constant 0 : index
    %get3A_3 = arith.constant 0 : index
    %get3A_4 = vector.load %arg2[%get3A_2, %get3A_3] : memref<32x128xf32, #tpu.memory_space<vmem>>, vector<32x1xf32>
    %mul3A = vector.broadcast %get3A_4 : vector<32x1xf32> to vector<32x73728xf32>
    %mul3A_5 = arith.mulf %get3A_1, %mul3A : vector<32x73728xf32>
    %reduce_sum3A = arith.constant dense<0.000000e+00> : vector<73728xf32>
    %reduce_sum3A_6 = vector.multi_reduction <add>, %mul3A_5, %reduce_sum3A [0] : vector<32x73728xf32> to vector<73728xf32>
    %broadcast_in_dim3A = vector.shape_cast %reduce_sum3A_6 : vector<73728xf32> to vector<1x73728xf32>
    %swap3A = arith.constant 0 : index
    %swap3A_7 = arith.constant 0 : index
    %swap3A_8 = vector.load %arg3[%swap3A, %swap3A_7] : memref<1x73728xf32, #tpu.memory_space<vmem>>, vector<1x73728xf32>
    tpu.vector_store %arg3[%swap3A, %swap3A_7], %broadcast_in_dim3A {strides = array<i32>} : memref<1x73728xf32, #tpu.memory_space<vmem>>, vector<1x73728xf32>,
    return
  }
  func.func @transform_0(%arg0: i32) -> (i32, i32) {
    %c0_i32 = arith.constant 0 : i32
    %c0_i32_0 = arith.constant 0 : i32
    return %c0_i32, %arg0 : i32, i32
  }
  func.func @transform_1(%arg0: i32) -> (i32, i32) {
    %c0_i32 = arith.constant 0 : i32
    %c0_i32_0 = arith.constant 0 : i32
    %c0_i32_1 = arith.constant 0 : i32
    return %c0_i32, %c0_i32_0 : i32, i32
  }
  func.func @transform_2(%arg0: i32) -> (i32, i32) {
    %c0_i32 = arith.constant 0 : i32
    %c0_i32_0 = arith.constant 0 : i32
    return %c0_i32, %arg0 : i32, i32
  }
}

</mosaic_0001>

<sc_bundles>
// kernel: _fm.5.cloned.1.call-start
scs
__scs_entry_jumppad:
0x0: {  	(pc) =	sbr.rel $0x88, $3  }
0x1: {  	(tag) =	ssettag $0x0;
	lr =	simm.s32 $0x1  }
0x2: {  	[smem:$0x3F9A] =	sst lr;
	_ =	strace $0xD0000000  }
0x3: {  	_ = 	snop  }
0x4: {  	_ = 	snop  }
0x5: {  	_ = 	snop  }
0x6: {  	_ = 	snop  }
0x7: {  	_ = 	snop  }
__scs_overlays_trampoline_lowered:
0x8: {  	[smem:$0x3FA9] =	sst s0  }
0x9: {  	[smem:$0x3FAA] =	sst s1  }
0xa: {  	[smem:$0x3FAB] =	sst s2  }
0xb: {  	[smem:$0x3FAC] =	sst s3  }
0xc: {  	[smem:$0x3FAD] =	sst s4  }
0xd: {  	[smem:$0x3FAE] =	sst s5  }
0xe: {  	[smem:$0x3FAF] =	sst s6  }
0xf: {  	[smem:$0x3FB0] =	sst s7  }
0x10: {  	[smem:$0x3FB1] =	sst s8  }
0x11: {  	[smem:$0x3FB2] =	sst s9;
	s0 =	simm.s32 @!p0 $0x0  }
0x12: {  	s1 =	sld [smem:$0x3F98];
	s0 =	simm.s32 @p0 $0x1  }
0x13: {  	[smem:$0x3FB3] =	sst s0;
	s0 =	simm.s32 @!p1 $0x0  }
0x14: {  	s2 =	sld [smem:$0x3F97];
	s0 =	simm.s32 @p1 $0x1  }
0x15: {  	[smem:$0x3FB4] =	sst s0;
	s0 =	simm.s32 @!p2 $0x0  }
0x16: {  	s3 =	sld [smem:$0x3FDB];
	s0 =	simm.s32 @p2 $0x1  }
0x17: {  	s4 =	simm.s32 $0x1BF5;
	[smem:$0x3FB6] =	sst s0  }
0x18: {  	s0 =	sld [smem:$0x3F99];
	_ =	swait.ge [sflag:s4], $0x0  }
0x19: {  	s7 =	sld [smem:$0x3F9A]  }
0x1a: {  	s8 =	sadd.s32 $0xFFFFE003, lr  }
0x1b: {  	s9 =	sadd.s32 $0xFFFFFEF7, lr;
	s5 =	simm.s32 $0xFFFFFFFF;
	p2 =	slt.u32 s8, $0xFFFFF086  }
0x1c: {  	p1 =	slt.u32 s9, $0xF7A;
	s5 =	simm.s32 @!p2 $0x0  }
0x1d: {  	s5 =	simm.s32 @p1 $0x1;
	p0 =	seq.s32 s7, s2  }
0x1e: {  	s7 =	smul.u32 @!p0 $0xF7A, s2;
	p2 =	seq.s32 @!p0 s5, $0x0  }
0x1f: {  	s9 =	smul.u32 $0xF7A, s1;
	s8 =	simm.s32 @!p0 $0x1BF5;
	p2 =	por !p2, p0  }
0x20: {  	[sflag:s8] =	ssyncset.s32 @!p0 $0xFFFFF086;
	s6 =	sadd.s32 @!p0 s3, s7;
	s7 =	simm.s32 @!p0 $0x108  }
0x21: {  	s3 =	sadd.s32 s3, s9;
	s6 =	sadd.s32 @!p0 $0x88, s6;
	s7 =	simm.s32 @p2 $0x1082  }
0x22: {  	[simem:s7], [sflag:s8] =	dma.local @!p0 [hbm:s6], $0xF7A  }
0x23: {  	s9 =	sor.u32 $0xD0000000, s2;
	s6 =	simm.s32 $0x108;
	_ =	swait.ge @!p0 [sflag:s8], $0x0  }
0x24: {  	s3 =	sadd.s32 $0x88, s3;
	s6 =	simm.s32 @!p1 $0x1082;
	[sflag:s4] =	ssyncset.s32 $0xFFFFF086  }
0x25: {  	[simem:s6], [sflag:s4] =	dma.local [hbm:s3], $0xF7A  }
0x26: {  	[smem:$0x3F9A] =	sst s1;
	(tag) =	ssettag s2;
	_ =	strace s9  }
0x27: {  	s1 =	sld [smem:$0x3FAA]  }
0x28: {  	s2 =	sld [smem:$0x3FAB]  }
0x29: {  	s4 =	sld [smem:$0x3FAD]  }
0x2a: {  	p0 =	seq.s32 s5, $0x0;
	s5 =	sld [smem:$0x3FAE]  }
0x2b: {  	s6 =	sld [smem:$0x3FAF]  }
0x2c: {  	s7 =	sld [smem:$0x3FB0]  }
0x2d: {  	s3 =	simm.s32 $0x108;
	s8 =	sld [smem:$0x3FB1]  }
0x2e: {  	s3 =	simm.s32 @!p0 $0x1082;
	s9 =	sld [smem:$0x3FB2]  }
0x2f: {  	lr =	sadd.s32 s0, s3;
	s0 =	sld [smem:$0x3FA9]  }
0x30: {  	s3 =	sld [smem:$0x3FAC]  }
0x31: {  	[smem:$0x3FB5] =	sst s10  }
0x32: {  	s10 =	sld [smem:$0x3FB3];
	_ =	sdelay $0x3  }
0x33: {  	p0 =	seq.s32 s10, $0x1;
	s10 =	sld [smem:$0x3FB5];
	_ =	sdelay $0x3  }
0x34: {  	[smem:$0x3FB5] =	sst s10  }
0x35: {  	s10 =	sld [smem:$0x3FB4];
	_ =	sdelay $0x3  }
0x36: {  	p1 =	seq.s32 s10, $0x1;
	s10 =	sld [smem:$0x3FB5];
	_ =	sdelay $0x3  }
0x37: {  	[smem:$0x3FB5] =	sst s10  }
0x38: {  	s10 =	sld [smem:$0x3FB6]  }
0x39: {  	_ = 	snop;
	(pc) =	sbr.ind lr, $3  }
0x3a: {  	_ = 	snop  }
0x3b: {  	_ = 	snop  }
0x3c: {  	p2 =	seq.s32 s10, $0x1;
	s10 =	sld [smem:$0x3FB5]  }
0x3d: {  	_ =	shalt  }
0x3e: {  	_ =	shalt  }
0x3f: {  	_ =	shalt  }
0x40: {  	_ =	shalt  }
0x41: {  	_ =	shalt  }
0x42: {  	_ =	shalt  }
0x43: {  	_ =	shalt  }
0x44: {  	_ =	shalt  }
0x45: {  	_ =	shalt  }
0x46: {  	_ =	shalt  }
0x47: {  	_ =	shalt  }
0x48: {  	_ =	shalt  }
0x49: {  	_ =	shalt  }
0x4a: {  	_ =	shalt  }
0x4b: {  	_ =	shalt  }
0x4c: {  	_ =	shalt  }
0x4d: {  	_ =	shalt  }
0x4e: {  	_ =	shalt  }
0x4f: {  	_ =	shalt  }
0x50: {  	_ =	shalt  }
0x51: {  	_ =	shalt  }
0x52: {  	_ =	shalt  }
0x53: {  	_ =	shalt  }
0x54: {  	_ =	shalt  }
0x55: {  	_ =	shalt  }
0x56: {  	_ =	shalt  }
0x57: {  	_ =	shalt  }
0x58: {  	_ =	shalt  }
0x59: {  	_ =	shalt  }
0x5a: {  	_ =	shalt  }
0x5b: {  	_ =	shalt  }
0x5c: {  	_ =	shalt  }
0x5d: {  	_ =	shalt  }
0x5e: {  	_ =	shalt  }
0x5f: {  	_ =	shalt  }
0x60: {  	_ =	shalt  }
0x61: {  	_ =	shalt  }
0x62: {  	_ =	shalt  }
0x63: {  	_ =	shalt  }
0x64: {  	_ =	shalt  }
0x65: {  	_ =	shalt  }
0x66: {  	_ =	shalt  }
0x67: {  	_ =	shalt  }
0x68: {  	_ =	shalt  }
0x69: {  	_ =	shalt  }
0x6a: {  	_ =	shalt  }
0x6b: {  	_ =	shalt  }
0x6c: {  	_ =	shalt  }
0x6d: {  	_ =	shalt  }
0x6e: {  	_ =	shalt  }
0x6f: {  	_ =	shalt  }
0x70: {  	_ =	shalt  }
0x71: {  	_ =	shalt  }
0x72: {  	_ =	shalt  }
0x73: {  	_ =	shalt  }
0x74: {  	_ =	shalt  }
0x75: {  	_ =	shalt  }
0x76: {  	_ =	shalt  }
0x77: {  	_ =	shalt  }
0x78: {  	_ =	shalt  }
0x79: {  	_ =	shalt  }
0x7a: {  	_ =	shalt  }
0x7b: {  	_ =	shalt  }
0x7c: {  	_ =	shalt  }
0x7d: {  	_ =	shalt  }
0x7e: {  	_ =	shalt  }
0x7f: {  	_ =	shalt  }
0x80: {  	_ =	shalt  }
0x81: {  	_ =	shalt  }
0x82: {  	_ =	shalt  }
0x83: {  	_ =	shalt  }
0x84: {  	_ =	shalt  }
0x85: {  	_ =	shalt  }
0x86: {  	_ =	shalt  }
0x87: {  	_ =	shalt  }
.Lfunc_end0:
.L_simem_size_0:
called_computation_lowered:
.L_overlay_start_0:
0x88: {  	s2 =	sld [smem:$0x3FD9]  }
0x89: {  	s3 =	sld [smem:$0x3FFE];
	_ =	sdelay $0x1  }
0x8a: {  	s1 =	srdreg.scid  }
0x8b: {  	s0 =	sand.u32 $0x1, s1  }
0x8c: {  	s17 =	sshll.u32 s0, $0xA;
	s2 =	sadd.s32 s3, s2  }
0x8d: {  	s2 =	sadd.s32 s2, s17  }
0x8e: {  	[smem:$0x3FC1] =	sst s2  }
0x8f: {  	_ = 	snop  }
0x90: {  	s2 =	sld [smem:$0x3FC9]  }
0x91: {  	s18 =	sld [smem:$0x3FC8]  }
0x92: {  	s4 =	sld [smem:$0x3FC3]  }
0x93: {  	s5 =	sld [smem:$0x3FD0];
	(tm) =	ssettm $0x1  }
0x94: {  	s6 =	sld [smem:$0x3FFB];
	_ =	sdelay $0x3  }
0x95: {  	_ =	strace s6  }
0x96: {  	s6 =	sld [smem:$0x3FFC];
	_ =	sdelay $0x3  }
0x97: {  	_ =	strace s6  }
0x98: {  	s6 =	sld [smem:$0x3FFD];
	_ =	sdelay $0x3  }
0x99: {  	_ =	strace s6  }
0x9a: {  	_ =	strace $0x8FFFFFFF  }
0x9b: {  	s19 =	sld [smem:$0x3FDB];
	_ =	sdelay $0x1  }
0x9c: {  	s7 =	simm.s32 $_scs_section_size  }
0x9d: {  	s8 =	simm.s32 $_size__tile_overlayer_lowered;
	s9 =	simm.s32 $_tile_overlayer_lowered  }
0x9e: {  	s22 =	simm.s32 $0x1BFF;
	s21 =	sshll.u32 s9, $0x1;
	s6 =	sadd.s32 s7, s19  }
0x9f: {  	s10 =	simm.s32 $0x0;
	s20 =	sshll.u32 s8, $0x1;
	s8 =	sadd.s32 s21, s6  }
0xa0: {  	[timem:s10], [sflag:s22] =	dma.local [hbm:s8], s20  }
0xa1: {  	_ =	swait.ge [sflag:s22], s20  }
0xa2: {  	s7 =	ssub.s32 $0x0, s20;
	[sflag:s22] =	ssyncset.done $0x0  }
0xa3: {  	[sflag:s22] =	ssyncadd.s32 s7;
	_ =	sdelay $0x1  }
0xa4: {  	s23 =	simm.s32 $0x1B8B  }
0xa5: {  	_ =	swait.ge [sflag:s23], $0x1  }
0xa6: {  	[sflag:s23] =	ssyncset.done $0x0  }
0xa7: {  	s25 =	simm.s32 $0x1B8E;
	s24 =	sld [smem:$0x3FFE];
	[sflag:s23] =	ssyncadd.s32 $0xFFFFFFFF  }
0xa8: {  	s26 =	simm.s32 $execute0_lowered;
	[smem:$0x3FD2] =	sst s25  }
0xa9: {  	s8 =	sshll.u32 s26, $0x1;
	_ =	strace $0x80000046;
	[dreg:$0x1] =	wrdreg $0xFFFFFFFF  }
0xaa: {  	s28 =	simm.s32 $_size_execute0_lowered;
	s6 =	sadd.s32 s6, s8;
	[dreg:$0x0] =	wrdreg $0x0  }
0xab: {  	s8 =	sshll.u32 s28, $0x1;
	[dreg:$0x2] =	wrdreg s6  }
0xac: {  	[dreg:$0x3] =	wrdreg s8  }
0xad: {  	[dreg:$0x4] =	wrdreg $0xC0  }
0xae: {  	_ =	task [dreg:s10], $0x5FFFF  }
0xaf: {  	[dreg:$0x1] =	wrdreg $0xFFFFFFFF  }
0xb0: {  	[dreg:$0x0] =	wrdreg $0x60  }
0xb1: {  	[dreg:$0x2] =	wrdreg s24  }
0xb2: {  	[dreg:$0x3] =	wrdreg s2  }
0xb3: {  	[dreg:$0x4] =	wrdreg s18  }
0xb4: {  	[dreg:$0x5] =	wrdreg s4  }
0xb5: {  	[dreg:$0x6] =	wrdreg s5  }
0xb6: {  	[dreg:$0x7] =	wrdreg $0x9  }
0xb7: {  	_ =	task.clear_ibuf [dreg:s10], $0x8FFFF;
	_ =	strace $0x90000046  }
0xb8: {  	s29 =	simm.s32 $0x9;
	_ =	strace $0x80000048  }
0xb9: {  	_ =	swait.ge [sflag:s29], $0x1  }
0xba: {  	[sflag:s29] =	ssyncadd.s32 $0xFFFFFFFF  }
0xbb: {  	_ =	strace $0x90000048  }
0xbc: {  	_ =	sfence  }
0xbd: {  	s30 =	sld [smem:$0x0];
	_ =	sdelay $0x2  }
0xbe: {  	s31 =	sshll.u32 s1, $0xD;
	s1 =	sshrl.u32 s1, $0x2  }
0xbf: {  	s3 =	sand.u32 $0x4000, s31;
	s1 =	sadd.s32 s1, s30  }
0xc0: {  	s0 =	sor.u32 s3, s0;
	s1 =	sshll.u32 s1, $0x11  }
0xc1: {  	s0 =	sor.u32 s1, s0  }
0xc2: {  	s0 =	sadd.s32 $0x8F2B, s0  }
0xc3: {  	[sflag:s0] =	ssyncadd.remote.s32 $0x1  }
0xc4: {  	_ =	sfence.sel $0xFFFF  }
0xc5: {  	[dreg:$0x0] =	wrdreg $0xFFFFFFFF;
	(pc) =	sbr.abs _section_cstart, $3  }
0xc6: {  	[dreg:$0x1] =	wrdreg $0xFFFFFFFF  }
0xc7: {  	_ =	task.clear_ibuf [dreg:s10], $0x2FFFF;
	_ =	strace $0x9FFFFFFF  }
0xc8: {  	(tm) =	ssettm $0x7FFFFFFF  }
0xc9: {  	_ =	shalt  }
tec
execute0_lowered:
.L_overlay_start_1:
0x0: {  	(tag) =	ssettag $0x1  }
0x1: {  	s5 =	rddreg [dreg:$0x0]  }
0x2: {  	s6 =	rddreg [dreg:$0x1]  }
0x3: {  	s7 =	rddreg [dreg:$0x2]  }
0x4: {  	s1 =	rddreg [dreg:$0x3]  }
0x5: {  	s8 =	rddreg [dreg:$0x4]  }
0x6: {  	s0 =	rddreg [dreg:$0x5];
	s2 =	simm.s32 $0x0  }
0x7: {  	s9 =	srdreg.scid;
	s3 =	stileid.u32;
	s13 =	simm.s32 $0x80  }
0x8: {  	s14 =	simm.s32 $0x400;
	s15 =	simm.s32 $0x600;
	s16 =	simm.s32 $0x480  }
0x9: {  	s17 =	simm.s32 $0x280;
	s18 =	simm.s32 $0x680;
	s19 =	simm.s32 $0x100  }
0xa: {  	s20 =	simm.s32 $0x500;
	s21 =	simm.s32 $0x300;
	s22 =	simm.s32 $0x700  }
0xb: {  	s23 =	simm.s32 $0x180;
	s24 =	simm.s32 $0x580;
	s25 =	simm.s32 $0x380  }
0xc: {  	s26 =	simm.s32 $0x780;
	s28 =	simm.s32 $0x1;
	s29 =	simm.s32 $0x810  }
0xd: {  	[smem:$0x7FF] =	sst s2;
	s4 =	sadd.s32 $0x5600, s5;
	s9 =	sand.u32 $0x1, s9  }
0xe: {  	s11 =	sshll.u32 s3, $0x7;
	s5 =	sadd.s32 $0xE00, s5;
	s10 =	ssub.s32 $0x2, s9  }
0xf: {  	_ =	strace $0x80000047;
	s9 =	sshll.u32 s9, $0x6;
	s12 =	sshrl.u32 s10, $0x1  }
0x10: {  	s9 =	sor.u32 s9, s11;
	s11 =	simm.s32 $0x200;
	s10 =	ssub.s32 s10, s12  }
0x11: {  	s6 =	sadd.s32 s6, s9;
	s7 =	sadd.s32 s7, s9;
	s8 =	sadd.s32 s8, s9  }
0x12: {  	s12 =	simm.s32 $0x800;
	s9 =	smax.u32 s10, $0x1;
	s10 =	simm.s32 $0x2  }
.LBB2_1:
0x13: {  	[tilespmem:s2], [sflag:$0x2] =	stream.linear.gather [hbm4b:s6+s2], $0x200, $0x38;
	[tilespmem:$0xA10] =	vst v63  }
0x14: {  	_ =	swait.ge [sflag:s10], $0x200  }
0x15: {  	[sflag:s10] =	ssyncset.done $0x0  }
0x16: {  	[sflag:s10] =	ssyncadd.s32 $0xFFFFFE00  }
0x17: {  	[tilespmem:s11], [sflag:$0x2] =	stream.linear.gather [hbm4b:s7+s2], $0x200, $0x38;
	[tilespmem:$0xA10] =	vst v63  }
0x18: {  	_ =	swait.ge [sflag:s10], $0x200  }
0x19: {  	[sflag:s10] =	ssyncset.done $0x0  }
0x1a: {  	[sflag:s10] =	ssyncadd.s32 $0xFFFFFE00  }
0x1b: {  	[tilespmem:s12], [sflag:$0x2] =	stream.linear.gather [hbm4b:s1+s2], $0x10, $0x38;
	[tilespmem:$0xA10] =	vst v63  }
0x1c: {  	_ =	swait.ge [sflag:s10], $0x10  }
0x1d: {  	[sflag:s10] =	ssyncset.done $0x0  }
0x1e: {  	[sflag:s10] =	ssyncadd.s32 $0xFFFFFFF0  }
0x1f: {  	[tilespmem:s14], [sflag:$0x1] =	stream.indirect.gather [hbm4b:s4+s13], $0x1, s2, s13, $0xb8;
	[tilespmem:$0xA10] =	vst v63  }
0x20: {  	_ = 	snop  }
0x21: {  	[tilespmem:s15], [sflag:$0x1] =	stream.indirect.gather [hbm4b:s5+s13], $0x1, s11, s13, $0xb8;
	[tilespmem:$0xA10] =	vst v63  }
0x22: {  	_ = 	snop  }
0x23: {  	[tilespmem:s16], [sflag:$0x1] =	stream.indirect.gather [hbm4b:s4+s13], $0x1, s13, s13, $0xb8;
	[tilespmem:$0xA10] =	vst v63  }
0x24: {  	_ = 	snop  }
0x25: {  	[tilespmem:s18], [sflag:$0x1] =	stream.indirect.gather [hbm4b:s5+s13], $0x1, s17, s13, $0xb8;
	[tilespmem:$0xA10] =	vst v63  }
0x26: {  	_ = 	snop  }
0x27: {  	[tilespmem:s20], [sflag:$0x1] =	stream.indirect.gather [hbm4b:s4+s13], $0x1, s19, s13, $0xb8;
	[tilespmem:$0xA10] =	vst v63  }
0x28: {  	_ = 	snop  }
0x29: {  	[tilespmem:s22], [sflag:$0x1] =	stream.indirect.gather [hbm4b:s5+s13], $0x1, s21, s13, $0xb8;
	[tilespmem:$0xA10] =	vst v63  }
0x2a: {  	_ = 	snop  }
0x2b: {  	[tilespmem:s24], [sflag:$0x1] =	stream.indirect.gather [hbm4b:s4+s13], $0x1, s23, s13, $0xb8;
	[tilespmem:$0xA10] =	vst v63  }
0x2c: {  	_ = 	snop  }
0x2d: {  	[tilespmem:s26], [sflag:$0x1] =	stream.indirect.gather [hbm4b:s5+s13], $0x1, s25, s13, $0xb8;
	[tilespmem:$0xA10] =	vst v63  }
0x2e: {  	_ =	swait.ge [sflag:s28], $0x80  }
0x2f: {  	[sflag:s28] =	ssyncset.done $0x0  }
0x30: {  	[sflag:s28] =	ssyncadd.s32 $0xFFFFFF80  }
0x31: {  	_ =	swait.ge [sflag:s28], $0x80  }
0x32: {  	[sflag:s28] =	ssyncset.done $0x0  }
0x33: {  	[sflag:s28] =	ssyncadd.s32 $0xFFFFFF80  }
0x34: {  	_ =	swait.ge [sflag:s28], $0x80  }
0x35: {  	[sflag:s28] =	ssyncset.done $0x0  }
0x36: {  	[sflag:s28] =	ssyncadd.s32 $0xFFFFFF80  }
0x37: {  	_ =	swait.ge [sflag:s28], $0x80  }
0x38: {  	[sflag:s28] =	ssyncset.done $0x0  }
0x39: {  	[sflag:s28] =	ssyncadd.s32 $0xFFFFFF80  }
0x3a: {  	_ =	swait.ge [sflag:s28], $0x80  }
0x3b: {  	[sflag:s28] =	ssyncset.done $0x0  }
0x3c: {  	[sflag:s28] =	ssyncadd.s32 $0xFFFFFF80  }
0x3d: {  	_ =	swait.ge [sflag:s28], $0x80  }
0x3e: {  	[sflag:s28] =	ssyncset.done $0x0  }
0x3f: {  	[sflag:s28] =	ssyncadd.s32 $0xFFFFFF80  }
0x40: {  	_ =	swait.ge [sflag:s28], $0x80  }
0x41: {  	[sflag:s28] =	ssyncset.done $0x0  }
0x42: {  	[sflag:s28] =	ssyncadd.s32 $0xFFFFFF80  }
0x43: {  	_ =	swait.ge [sflag:s28], $0x80  }
0x44: {  	[sflag:s28] =	ssyncset.done $0x0  }
0x45: {  	[sflag:s28] =	ssyncadd.s32 $0xFFFFFF80  }
0x46: {  	v0 =	vld [tilespmem:$0x800]  }
0x47: {  	v1 =	vld [tilespmem:$0x400]  }
0x48: {  	v2 =	vld [tilespmem:$0x600]  }
0x49: {  	v3 =	vld [tilespmem:$0x410]  }
0x4a: {  	v4 =	vld [tilespmem:$0x610]  }
0x4b: {  	v5 =	vld [tilespmem:$0x420]  }
0x4c: {  	v6 =	vld [tilespmem:$0x620]  }
0x4d: {  	v7 =	vld [tilespmem:$0x430]  }
0x4e: {  	v8 =	vld [tilespmem:$0x630]  }
0x4f: {  	v9 =	vld [tilespmem:$0x440]  }
0x50: {  	v10 =	vld [tilespmem:$0x640]  }
0x51: {  	v11 =	vld [tilespmem:$0x450]  }
0x52: {  	v12 =	vld [tilespmem:$0x650]  }
0x53: {  	v13 =	vld [tilespmem:$0x460]  }
0x54: {  	v14 =	vld [tilespmem:$0x660]  }
0x55: {  	v15 =	vld [tilespmem:$0x470]  }
0x56: {  	v16 =	vld [tilespmem:$0x670]  }
0x57: {  	v17 =	vld [tilespmem:$0x480]  }
0x58: {  	v18 =	vld [tilespmem:$0x680]  }
0x59: {  	v19 =	vld [tilespmem:$0x490]  }
0x5a: {  	v20 =	vld [tilespmem:$0x690]  }
0x5b: {  	v21 =	vld [tilespmem:$0x4A0]  }
0x5c: {  	v22 =	vld [tilespmem:$0x6A0]  }
0x5d: {  	v23 =	vld [tilespmem:$0x4B0]  }
0x5e: {  	v24 =	vld [tilespmem:$0x6B0]  }
0x5f: {  	v25 =	vld [tilespmem:$0x4C0]  }
0x60: {  	v26 =	vld [tilespmem:$0x6C0]  }
0x61: {  	v27 =	vld [tilespmem:$0x4D0]  }
0x62: {  	v28 =	vld [tilespmem:$0x6D0]  }
0x63: {  	v29 =	vld [tilespmem:$0x4E0]  }
0x64: {  	v30 =	vld [tilespmem:$0x6E0]  }
0x65: {  	v31 =	vld [tilespmem:$0x4F0]  }
0x66: {  	v32 =	vld [tilespmem:$0x6F0]  }
0x67: {  	v33 =	vld [tilespmem:$0x500]  }
0x68: {  	v34 =	vld [tilespmem:$0x700]  }
0x69: {  	v35 =	vld [tilespmem:$0x510]  }
0x6a: {  	v36 =	vld [tilespmem:$0x710]  }
0x6b: {  	v37 =	vld [tilespmem:$0x520]  }
0x6c: {  	v45 =	vld [tilespmem:$0x760];
	v1 =	vadd.f32 v2, v1;
	v3 =	vadd.f32 v4, v3  }
0x6d: {  	v48 =	vld [tilespmem:$0x570];
	v5 =	vadd.f32 v6, v5;
	v7 =	vadd.f32 v8, v7  }
0x6e: {  	v51 =	vld [tilespmem:$0x770];
	v62 =	vadd.f32 v10, v9;
	v1 =	vadd.f32 v1, v0  }
0x6f: {  	v54 =	vld [tilespmem:$0x580];
	v38 =	vadd.f32 v12, v11;
	v3 =	vadd.f32 v3, v0  }
0x70: {  	v57 =	vld [tilespmem:$0x780];
	v40 =	vadd.f32 v14, v13;
	v61 =	vadd.f32 v5, v0;
	[tilespmem:$0x810] =	vst v1  }
0x71: {  	v60 =	vld [tilespmem:$0x590];
	v42 =	vadd.f32 v16, v15;
	v63 =	vadd.f32 v7, v0;
	[tilespmem:$0x820] =	vst v3  }
0x72: {  	v2 =	vld [tilespmem:$0x720];
	v44 =	vadd.f32 v18, v17;
	v39 =	vadd.f32 v62, v0;
	[tilespmem:$0x830] =	vst v61  }
0x73: {  	v4 =	vld [tilespmem:$0x530];
	v47 =	vadd.f32 v20, v19;
	v41 =	vadd.f32 v38, v0;
	[tilespmem:$0x840] =	vst v63  }
0x74: {  	v6 =	vld [tilespmem:$0x730];
	v50 =	vadd.f32 v22, v21;
	v43 =	vadd.f32 v40, v0;
	[tilespmem:$0x850] =	vst v39  }
0x75: {  	v8 =	vld [tilespmem:$0x540];
	v53 =	vadd.f32 v24, v23;
	v46 =	vadd.f32 v42, v0;
	[tilespmem:$0x860] =	vst v41  }
0x76: {  	v9 =	vld [tilespmem:$0x740];
	v56 =	vadd.f32 v26, v25;
	v49 =	vadd.f32 v44, v0;
	[tilespmem:$0x870] =	vst v43  }
0x77: {  	v10 =	vld [tilespmem:$0x550];
	v59 =	vadd.f32 v28, v27;
	v52 =	vadd.f32 v47, v0;
	[tilespmem:$0x880] =	vst v46  }
0x78: {  	v11 =	vld [tilespmem:$0x750];
	v25 =	vadd.f32 v32, v31;
	v55 =	vadd.f32 v50, v0;
	[tilespmem:$0x890] =	vst v49  }
0x79: {  	v12 =	vld [tilespmem:$0x560];
	v28 =	vadd.f32 v34, v33;
	v58 =	vadd.f32 v53, v0;
	[tilespmem:$0x8A0] =	vst v52  }
0x7a: {  	v26 =	vld [tilespmem:$0x5A0];
	v31 =	vadd.f32 v36, v35;
	v24 =	vadd.f32 v59, v0;
	[tilespmem:$0x8B0] =	vst v55  }
0x7b: {  	v32 =	vld [tilespmem:$0x5B0];
	v62 =	vadd.f32 v30, v29;
	v30 =	vadd.f32 v25, v0;
	[tilespmem:$0x8C0] =	vst v58  }
0x7c: {  	v34 =	vld [tilespmem:$0x7B0];
	v33 =	vadd.f32 v28, v0;
	[tilespmem:$0x8E0] =	vst v24  }
0x7d: {  	v36 =	vld [tilespmem:$0x5C0];
	v35 =	vadd.f32 v31, v0;
	[tilespmem:$0x900] =	vst v30  }
0x7e: {  	v29 =	vld [tilespmem:$0x7A0];
	v47 =	vadd.f32 v51, v48;
	v61 =	vadd.f32 v56, v0;
	[tilespmem:$0x910] =	vst v33  }
0x7f: {  	v42 =	vld [tilespmem:$0x5D0];
	v50 =	vadd.f32 v57, v54;
	v27 =	vadd.f32 v62, v0;
	[tilespmem:$0x920] =	vst v35  }
0x80: {  	v48 =	vld [tilespmem:$0x5E0];
	v52 =	vadd.f32 v47, v0;
	v2 =	vadd.f32 v2, v37;
	[tilespmem:$0x8D0] =	vst v61  }
0x81: {  	v51 =	vld [tilespmem:$0x7E0];
	v55 =	vadd.f32 v50, v0;
	v4 =	vadd.f32 v6, v4;
	[tilespmem:$0x8F0] =	vst v27  }
0x82: {  	v54 =	vld [tilespmem:$0x5F0];
	v38 =	vadd.f32 v9, v8;
	[tilespmem:$0x980] =	vst v52;
	v37 =	vadd.f32 v2, v0  }
0x83: {  	v63 =	vld [tilespmem:$0x790];
	v41 =	vadd.f32 v11, v10;
	[tilespmem:$0x990] =	vst v55;
	v40 =	vadd.f32 v4, v0  }
0x84: {  	v39 =	vld [tilespmem:$0x7C0];
	v44 =	vadd.f32 v45, v12;
	v43 =	vadd.f32 v38, v0;
	[tilespmem:$0x930] =	vst v37  }
0x85: {  	v45 =	vld [tilespmem:$0x7D0];
	v58 =	vadd.f32 v34, v32;
	v46 =	vadd.f32 v41, v0;
	[tilespmem:$0x940] =	vst v40  }
0x86: {  	v57 =	vld [tilespmem:$0x7F0];
	v49 =	vadd.f32 v44, v0;
	v56 =	vadd.f32 v29, v26;
	[tilespmem:$0x950] =	vst v43  }
0x87: {  	v3 =	vadd.f32 v58, v0;
	v61 =	vadd.f32 v51, v48;
	[tilespmem:$0x960] =	vst v46  }
0x88: {  	v53 =	vadd.f32 v63, v60;
	[tilespmem:$0x970] =	vst v49;
	v2 =	vadd.f32 v56, v0  }
0x89: {  	v59 =	vadd.f32 v39, v36;
	[tilespmem:$0x9C0] =	vst v3;
	v63 =	vadd.f32 v61, v0  }
0x8a: {  	v60 =	vadd.f32 v45, v42;
	v4 =	vadd.f32 v53, v0;
	[tilespmem:$0x9B0] =	vst v2  }
0x8b: {  	v62 =	vadd.f32 v57, v54;
	v1 =	vadd.f32 v59, v0;
	[tilespmem:$0x9F0] =	vst v63  }
0x8c: {  	[tilespmem:$0x9A0] =	vst v4;
	v4 =	vadd.f32 v60, v0  }
0x8d: {  	[tilespmem:$0x9D0] =	vst v1;
	v0 =	vadd.f32 v62, v0  }
0x8e: {  	p0 =	sne.s32 s9, $0x1;
	[tilespmem:$0x9E0] =	vst v4  }
.Ltmp0:
0x8f: {  	[tilespmem:$0xA00] =	vst v0;
	(pc) =	sbr.rel @p0 .LBB2_1-.Ltmp0, $4  }
0x90: {  	[hbm4b:s8+s2] =	stream.linear.scatter [tilespmem:s29], [sflag:$0x2], $0x200, $0x38;
	[tilespmem:$0xA10] =	vst v63  }
0x91: {  	_ =	swait.ge [sflag:s10], $0x200  }
0x92: {  	[sflag:s10] =	ssyncset.done $0x0  }
0x93: {  	s9 =	sadd.s32 $0xFFFFFFFF, s9;
	[sflag:s10] =	ssyncadd.s32 $0xFFFFFE00  }
0x94: {  	_ =	sfence.sel $0x180000  }
0x95: {  	[bflag:$0x0] =	sbarrier.arrive $0xFFFF  }
0x96: {  	p0 =	sne.s32 s3, $0x0;
	_ =	strace $0x90000047  }
0x97: {  	s0 =	sadd.s32 @!p0 $0x100000, s0;
	[bflag:$0x2] =	sbarrier.arrive $0xFFFF  }
0x98: {  	[sflag:s0] =	ssyncadd.tile.s32 @!p0 $0x1;
	_ =	shalt  }
.Lfunc_end2:
_tile_overlayer_lowered:
.L_overlay_start_2:
0x99: {  	(tag) =	ssettag $0x2  }
0x9a: {  	s0 =	rddreg [dreg:$0x0];
	s2 =	stileid.u32  }
0x9b: {  	s1 =	rddreg [dreg:$0x1];
	p0 =	sne.s32 s2, $0x0  }
0x9c: {  	s3 =	rddreg [dreg:$0x2];
	[bflag:$0x3] =	sbarrier.arrive $0xFFFF;
	s2 =	simm.s32 @!p0 $0x1C02  }
0x9d: {  	[timem:s3], [sflag:s2] =	dma.local @!p0 [hbm:s0], s1  }
0x9e: {  	s0 =	simm.s32 @!p0 $0x2  }
0x9f: {  	_ =	swait.ge @!p0 [sflag:s0], s1  }
0xa0: {  	s1 =	ssub.s32 @!p0 $0x0, s1;
	[sflag:s0] =	ssyncset.done @!p0 $0x0  }
0xa1: {  	[sflag:s0] =	ssyncadd.s32 @!p0 s1  }
0xa2: {  	[bflag:$0x3] =	sbarrier.arrive $0xFFFF  }
0xa3: {  	_ =	shalt  }

</sc_bundles>
